<compile_context>
chip_gen: v7x
topology: tpu7x:2x2x1
jax: 0.10.2.dev20260603
libtpu: 0.0.44.dev20260713+nightly
codegen_flags: <defaults>
</compile_context>

<pallas_src>
import functools

import jax
import jax.numpy as jnp
from jax import lax
from jax.experimental import pallas as pl
from jax.experimental.pallas import tpu as pltpu
from jax.experimental.pallas import tpu_sc as plsc

N = 10000
E = 320000
DD = 64
DE = 16
H = 128

NW = 32
C = 128
EPW = 10240
E_PAD = NW * EPW
CHUNKS = EPW // C
N_PAD = 10240
NROWS = N_PAD // 2
TRASH = NROWS
NACC = NROWS + 8
RPT = NROWS // 16

_mesh = plsc.VectorSubcoreMesh(core_axis_name="c", subcore_axis_name="s")



def _pack_state(out, t_ref):
    tn = out.shape[0]
    rs = jnp.broadcast_to(jnp.sum(out, axis=1, keepdims=True), (tn, 16))
    t_ref[...] = jnp.concatenate(
        [out, rs, jnp.zeros((tn, 48), jnp.float32)], axis=1)


def _tc_node_pre(xs_ref, xd_ref, w1at, w1bt, w1ct, w1dt, f0t,
                 prow_ref, pcol_ref, t_ref):
    xs = xs_ref[...]
    xd = xd_ref[...]
    f32 = jnp.float32
    prow_ref[...] = (jnp.dot(xs, w1at[...], preferred_element_type=f32)
                     + jnp.dot(xd, w1ct[...], preferred_element_type=f32))
    pcol_ref[...] = (jnp.dot(xs, w1bt[...], preferred_element_type=f32)
                     + jnp.dot(xd, w1dt[...], preferred_element_type=f32))
    _pack_state(jnp.dot(xd, f0t[...], preferred_element_type=f32), t_ref)


def _tc_mlp(g_ref, ea_ref, w1et, b1_ref, w2t, b2_ref, s_ref):
    q = jnp.dot(ea_ref[...], w1et[...], preferred_element_type=jnp.float32)
    h = jnp.maximum(g_ref[...] + q + b1_ref[...], 0.0)
    sv = jnp.dot(h, w2t[...], preferred_element_type=jnp.float32) + b2_ref[...]
    n2 = jnp.sum(sv * sv, axis=1, keepdims=True)
    t = sv / jnp.sqrt(n2)
    t = jnp.where(jnp.isnan(t), 0.0, t)
    s_ref[...] = jnp.concatenate(
        [t, jnp.zeros((t.shape[0], H - DD), jnp.float32)], axis=1)


def _tc_update(t_in_ref, p_ref, ft_ref, t_ref, out_ref):
    ps = p_ref[0, :, :DD] + p_ref[1, :, :DD]
    out = t_in_ref[:, :DD] + jnp.dot(
        ps, ft_ref[...], preferred_element_type=jnp.float32)
    _pack_state(out, t_ref)
    out_ref[...] = out



@functools.partial(
    pl.kernel,
    out_type=jax.ShapeDtypeStruct((E_PAD, H), jnp.float32),
    mesh=_mesh,
    scratch_types=[
        pltpu.VMEM((C,), jnp.int32),
        pltpu.VMEM((C,), jnp.int32),
        pltpu.VMEM((C,), jnp.int32),
        pltpu.VMEM((C,), jnp.int32),
        pltpu.VMEM((C, H), jnp.float32),
        pltpu.VMEM((C, H), jnp.float32),
        pltpu.VMEM((C, H), jnp.float32),
        pltpu.VMEM((C, H), jnp.float32),
        pltpu.SemaphoreType.DMA,
        pltpu.SemaphoreType.DMA,
        pltpu.SemaphoreType.DMA,
        pltpu.SemaphoreType.DMA,
    ],
)
def _sc_gather_add(prow_hbm, pcol_hbm, row_hbm, col_hbm, g_hbm,
                   ridx0, cidx0, ridx1, cidx1, bufa0, bufb0, bufa1, bufb1,
                   sema0, semb0, sema1, semb1):
    wid = lax.axis_index("s") * 2 + lax.axis_index("c")
    base0 = wid * EPW
    slots = ((ridx0, cidx0, bufa0, bufb0, sema0, semb0),
             (ridx1, cidx1, bufa1, bufb1, sema1, semb1))

    def issue(k, slot):
        ridx, cidx, bufa, bufb, sema, semb = slot
        base = base0 + k * C
        pltpu.sync_copy(row_hbm.at[pl.ds(base, C)], ridx)
        pltpu.sync_copy(col_hbm.at[pl.ds(base, C)], cidx)
        pltpu.async_copy(prow_hbm.at[ridx], bufa, sema)
        pltpu.async_copy(pcol_hbm.at[cidx], bufb, semb)

    def finish(k, slot):
        ridx, cidx, bufa, bufb, sema, semb = slot
        base = base0 + k * C
        pltpu.make_async_copy(prow_hbm.at[ridx], bufa, sema).wait()
        pltpu.make_async_copy(pcol_hbm.at[cidx], bufb, semb).wait()

        def add_e(e, c2):
            for j in range(H // 16):
                sl = (e, pl.ds(j * 16, 16))
                bufa[sl] = bufa[sl] + bufb[sl]
            return c2

        lax.fori_loop(0, C, add_e, 0)
        pltpu.sync_copy(bufa, g_hbm.at[pl.ds(base, C)])

    issue(0, slots[0])

    def pair(i, carry):
        issue(2 * i + 1, slots[1])
        finish(2 * i, slots[0])

        @pl.when(2 * i + 2 < CHUNKS)
        def _():
            issue(2 * i + 2, slots[0])

        finish(2 * i + 1, slots[1])
        return carry

    lax.fori_loop(0, CHUNKS // 2, pair, 0)


@functools.partial(
    pl.kernel,
    out_type=jax.ShapeDtypeStruct((2 * NROWS, H), jnp.float32),
    mesh=_mesh,
    scratch_types=[
        pltpu.VMEM((C,), jnp.int32),
        pltpu.VMEM((C,), jnp.int32),
        pltpu.VMEM((C, H), jnp.float32),
        pltpu.VMEM((C, H), jnp.float32),
        pltpu.VMEM((C, H), jnp.float32),
        pltpu.VMEM((C, H), jnp.float32),
        pltpu.VMEM((C, H), jnp.float32),
        pltpu.VMEM((C,), jnp.int32),
        pltpu.VMEM((C,), jnp.int32),
        pltpu.VMEM_SHARED((NACC, H), jnp.float32),
        pltpu.SemaphoreType.DMA,
        pltpu.SemaphoreType.DMA,
        pltpu.SemaphoreType.DMA,
        pltpu.SemaphoreType.DMA,
    ],
)
def _sc_shift_scatter(row_hbm, col_hbm, t_hbm, s_hbm, lin_hbm, part_hbm,
                      ridx, cidx, bufr, bufc, bufs, shiftb, shifthi,
                      cidx2, cidx3, accum, semr, semc, sems, semp):
    cid = lax.axis_index("c")
    sid = lax.axis_index("s")
    wid = sid * 2 + cid
    base0 = wid * EPW

    zv = jnp.zeros((16,), jnp.float32)

    def zrow(e, c2):
        for j in range(H // 16):
            shiftb[e, pl.ds(j * 16, 16)] = zv
            shifthi[e, pl.ds(j * 16, 16)] = zv
        return c2

    lax.fori_loop(0, C, zrow, 0)
    _offs = (0, 128, 192)
    for _o in _offs:
        off = sid * RPT + _o
        pltpu.sync_copy(lin_hbm.at[pl.ds(off, C)], ridx)
        pltpu.sync_copy(shiftb, accum.at[ridx])

    @pl.when(sid == 0)
    def _zero_trash():
        pltpu.sync_copy(lin_hbm.at[pl.ds(NACC - C, C)], ridx)
        pltpu.sync_copy(shiftb, accum.at[ridx])

    plsc.subcore_barrier()

    def chunk(i, carry):
        base = base0 + i * C
        pltpu.sync_copy(row_hbm.at[pl.ds(base, C)], ridx)
        pltpu.sync_copy(col_hbm.at[pl.ds(base, C)], cidx)
        cr = pltpu.async_copy(t_hbm.at[ridx], bufr, semr)
        cc = pltpu.async_copy(t_hbm.at[cidx], bufc, semc)
        cs = pltpu.async_copy(s_hbm.at[pl.ds(base, C)], bufs, sems)
        cr.wait()
        cc.wait()
        cs.wait()

        def edge(e, c2):
            mr = bufr[e, pl.ds(DD, 16)]
            mc = bufc[e, pl.ds(DD, 16)]
            em = jnp.where(jnp.abs(mr) + jnp.abs(mc) > 0.0, 1.0, 0.0)
            for j in range(DD // 16):
                sl = (e, pl.ds(j * 16, 16))
                v = (bufc[sl] - bufr[sl]) * bufs[sl] * em
                shiftb[sl] = v
                shifthi[e, pl.ds(DD + j * 16, 16)] = v
            return c2

        lax.fori_loop(0, C, edge, 0)
        for v in range(C // 16):
            sl = pl.ds(v * 16, 16)
            cv = cidx[sl]
            half = jax.lax.shift_right_logical(cv, 1)
            odd = jnp.bitwise_and(cv, 1)
            cidx2[sl] = jnp.where(odd == 0, half, TRASH)
            cidx3[sl] = jnp.where(odd == 1, half, TRASH)
        pltpu.sync_copy(shiftb, accum.at[cidx2], add=True)
        pltpu.sync_copy(shifthi, accum.at[cidx3], add=True)
        return carry

    lax.fori_loop(0, CHUNKS, chunk, 0)
    plsc.subcore_barrier()

    for _o in _offs:
        off = sid * RPT + _o
        pltpu.sync_copy(lin_hbm.at[pl.ds(off, C)], ridx)
        pltpu.sync_copy(accum.at[ridx], bufc)
        pltpu.sync_copy(bufc, part_hbm.at[pl.ds(cid * NROWS + off, C)])



def _node_pre(x_s, x_d, w1at, w1bt, w1ct, w1dt, f0t):
    tn = 1000
    grid = N // tn
    full = lambda shape: pl.BlockSpec(shape, lambda i: (0, 0))
    return pl.pallas_call(
        _tc_node_pre,
        grid=(grid,),
        in_specs=[
            pl.BlockSpec((tn, DD), lambda i: (i, 0)),
            pl.BlockSpec((tn, DD), lambda i: (i, 0)),
            full((DD, H)), full((DD, H)), full((DD, H)), full((DD, H)),
            full((DD, DD)),
        ],
        out_specs=[
            pl.BlockSpec((tn, H), lambda i: (i, 0)),
            pl.BlockSpec((tn, H), lambda i: (i, 0)),
            pl.BlockSpec((tn, H), lambda i: (i, 0)),
        ],
        out_shape=[
            jax.ShapeDtypeStruct((N, H), jnp.float32),
            jax.ShapeDtypeStruct((N, H), jnp.float32),
            jax.ShapeDtypeStruct((N, H), jnp.float32),
        ],
    )(x_s, x_d, w1at, w1bt, w1ct, w1dt, f0t)


def _edge_mlp(g, ea_p, w1et, b1r, w2t, b2r):
    te = 1024
    grid = E_PAD // te
    full = lambda shape: pl.BlockSpec(shape, lambda i: (0, 0))
    return pl.pallas_call(
        _tc_mlp,
        grid=(grid,),
        in_specs=[
            pl.BlockSpec((te, H), lambda i: (i, 0)),
            pl.BlockSpec((te, DE), lambda i: (i, 0)),
            full((DE, H)), full((1, H)), full((H, DD)), full((1, DD)),
        ],
        out_specs=pl.BlockSpec((te, H), lambda i: (i, 0)),
        out_shape=jax.ShapeDtypeStruct((E_PAD, H), jnp.float32),
    )(g, ea_p, w1et, b1r, w2t, b2r)


def _update(t_prev, parts, ft):
    tn = 1000
    grid = N // tn
    return pl.pallas_call(
        _tc_update,
        grid=(grid,),
        in_specs=[
            pl.BlockSpec((tn, H), lambda i: (i, 0)),
            pl.BlockSpec((2, tn, DD), lambda i: (0, i, 0)),
            pl.BlockSpec((DD, DD), lambda i: (0, 0)),
        ],
        out_specs=[
            pl.BlockSpec((tn, H), lambda i: (i, 0)),
            pl.BlockSpec((tn, DD), lambda i: (i, 0)),
        ],
        out_shape=[
            jax.ShapeDtypeStruct((N, H), jnp.float32),
            jax.ShapeDtypeStruct((N, DD), jnp.float32),
        ],
    )(t_prev, parts, ft)


def kernel(x_s, x_d, edge_index, edge_attr, F0, F1, F2, W1, b1, W2, b2):
    row = edge_index[0]
    col = edge_index[1]
    pad = E_PAD - E
    row_p = jnp.concatenate([row, jnp.zeros((pad,), row.dtype)])
    col_p = jnp.concatenate([col, jnp.zeros((pad,), col.dtype)])
    ea_p = jnp.concatenate(
        [edge_attr, jnp.zeros((pad, DE), edge_attr.dtype)], axis=0)

    w1at = W1[:, :DD].T
    w1bt = W1[:, DD:2 * DD].T
    w1ct = W1[:, 2 * DD:3 * DD].T
    w1dt = W1[:, 3 * DD:4 * DD].T
    w1et = W1[:, 4 * DD:].T
    b1r = b1.reshape(1, H)
    w2t = W2.T
    b2r = b2.reshape(1, DD)

    p_row, p_col, t = _node_pre(x_s, x_d, w1at, w1bt, w1ct, w1dt, F0.T)
    g = _sc_gather_add(p_row, p_col, row_p, col_p)
    s = _edge_mlp(g, ea_p, w1et, b1r, w2t, b2r)

    lin = jnp.arange(N_PAD, dtype=jnp.int32)

    def step(t_c, ft):
        parts = _sc_shift_scatter(row_p, col_p, t_c, s, lin)
        pr = parts.reshape(2, NROWS, H).reshape(2, N_PAD, DD)
        t2, out_i = _update(t_c, pr, ft)
        return t2, out_i

    _, outs = lax.scan(step, t, jnp.stack([F1.T, F2.T]))
    return outs[1]

# --- scband reference (transcript-rebuilt; emitter-appended) ---
"""Pipeline reference for scband-swegnn-19490561589351 (READ-ONLY COPY).

The authoritative reference and input builder live on the scoring server;
editing this copy changes nothing except your own understanding.
"""

import jax, jax.numpy as jnp
import numpy as np

N = 10000
E = 320000
DS = 64
DD = 64
DE = 16
H = 128  # hidden_size = dynamic_node_features * 2
IN = DE + 2 * DS + 2 * DD  # 272


def _lin_init(k, fan_in, shape):
    b = 1.0 / np.sqrt(fan_in)
    return jax.random.uniform(k, shape, jnp.float32, -b, b)


def setup_inputs(seed: int = 0) -> dict:
    key = jax.random.key(seed)
    ks = jax.random.split(key, 12)
    x_s = jax.random.normal(ks[0], (N, DS), dtype=jnp.float32)
    x_d = jax.random.normal(ks[1], (N, DD), dtype=jnp.float32)
    edge_index = jax.random.randint(ks[2], (2, E), 0, N)
    edge_attr = jax.random.normal(ks[3], (E, DE), dtype=jnp.float32)
    # filter matrices: K+1 = 3 bias-free Linear(DD, DD)
    F0 = _lin_init(ks[4], DD, (DD, DD))
    F1 = _lin_init(ks[5], DD, (DD, DD))
    F2 = _lin_init(ks[6], DD, (DD, DD))
    # edge MLP: Linear(IN, H) -> ReLU -> Linear(H, DD)
    W1 = _lin_init(ks[7], IN, (H, IN))
    b1 = _lin_init(ks[8], IN, (H,))
    W2 = _lin_init(ks[9], H, (DD, H))
    b2 = _lin_init(ks[10], H, (DD,))
    return dict(x_s=x_s, x_d=x_d, edge_index=edge_index, edge_attr=edge_attr,
                F0=F0, F1=F1, F2=F2, W1=W1, b1=b1, W2=W2, b2=b2)


def reference(x_s, x_d, edge_index, edge_attr, F0, F1, F2, W1, b1, W2, b2):
    row = edge_index[0]
    col = edge_index[1]
    num_nodes = x_d.shape[0]
    filters = [F0, F1, F2]
    out = x_d @ F0.T
    # e_ij depends only on x_s, x_d, edge_attr -> same every iteration
    e_ij = jnp.concatenate([x_s[row], x_s[col], x_d[row], x_d[col], edge_attr], axis=1)
    h = jax.nn.relu(e_ij @ W1.T + b1)
    s_full = h @ W2.T + b2
    nrm = jnp.linalg.norm(s_full, axis=1, keepdims=True)
    s_full = s_full / nrm
    s_full = jnp.where(jnp.isnan(s_full), 0.0, s_full)
    for k in range(2):
        mask = jnp.sum(out, axis=1) != 0
        # mask_row + mask_col on bool == logical OR; applied multiplicatively,
        # which is equivalent for the scatter-sum result
        em = (mask[row] | mask[col]).astype(out.dtype)
        hydraulic_gradient = out[col] - out[row]
        shift_sum = hydraulic_gradient * s_full * em[:, None]
        scattered = jax.ops.segment_sum(shift_sum, col, num_segments=num_nodes)
        scattered = scattered @ filters[k + 1].T
        out = out + scattered
    return out

if __name__ == "__main__":
    import jax
    _d = setup_inputs()
    print(jax.jit(kernel)(*tuple(_d.values())))

</pallas_src>

<mosaic_0001>
#map = affine_map<(d0, d1) -> (0)>
#map1 = affine_map<(d0, d1) -> (0, 0)>
module attributes {stable_mosaic.version = 14 : i64} {
  func.func @_sc_shift_scatter(%arg0: i32, %arg1: i32, %arg2: memref<327680xi32, #tpu.memory_space<hbm>>, %arg3: memref<327680xi32, #tpu.memory_space<hbm>>, %arg4: memref<10000x128xf32, #tpu.memory_space<hbm>>, %arg5: memref<327680x128xf32, #tpu.memory_space<hbm>>, %arg6: memref<10240xi32, #tpu.memory_space<hbm>>, %arg7: memref<10240x128xf32, #tpu.memory_space<hbm>>, %arg8: memref<128xi32, #tpu.memory_space<vmem>>, %arg9: memref<128xi32, #tpu.memory_space<vmem>>, %arg10: memref<128x128xf32, #tpu.memory_space<vmem>>, %arg11: memref<128x128xf32, #tpu.memory_space<vmem>>, %arg12: memref<128x128xf32, #tpu.memory_space<vmem>>, %arg13: memref<128x128xf32, #tpu.memory_space<vmem>>, %arg14: memref<128x128xf32, #tpu.memory_space<vmem>>, %arg15: memref<128xi32, #tpu.memory_space<vmem>>, %arg16: memref<128xi32, #tpu.memory_space<vmem>>, %arg17: memref<5128x128xf32, #tpu.memory_space<vmem_shared>>, %arg18: memref<!tpu.dma_semaphore, #tpu.memory_space<semaphore_mem>>, %arg19: memref<!tpu.dma_semaphore, #tpu.memory_space<semaphore_mem>>, %arg20: memref<!tpu.dma_semaphore, #tpu.memory_space<semaphore_mem>>, %arg21: memref<!tpu.dma_semaphore, #tpu.memory_space<semaphore_mem>>) attributes {dimension_semantics = [#tpu.dimension_semantics<core_parallel>, #tpu.dimension_semantics<subcore_parallel>], iteration_bounds = array<i64: 2, 16>, scalar_prefetch = 0 : i64, scratch_operands = 14 : i64, tpu.core_type = #tpu.core_type<sc_vector_subcore>, window_params = [{transform_indices = #map}, {transform_indices = #map}, {transform_indices = #map1}, {transform_indices = #map1}, {transform_indices = #map}, {transform_indices = #map1}]} {
    %mul3A = arith.constant 2 : i32
    %mul3A_0 = arith.muli %arg1, %mul3A : i32
    %add3A = arith.addi %mul3A_0, %arg0 : i32
    %mul3A_1 = arith.constant 10240 : i32
    %mul3A_2 = arith.muli %add3A, %mul3A_1 : i32
    %broadcast_in_dim3A = arith.constant 0.000000e+00 : f32
    %broadcast_in_dim3A_3 = vector.broadcast %broadcast_in_dim3A : f32 to vector<16xf32>
    %scan3A = arith.constant 0 : i32
    %scan3A_4 = arith.constant 0 : i32
    %scan3A_5 = arith.constant 128 : i32
    %scan3A_6 = arith.addi %scan3A_4, %scan3A_5 : i32
    %scan3A_7 = arith.constant 1 : i32
    scf.for %scan3A_51 = %scan3A_4 to %scan3A_6 step %scan3A_7  : i32 {
      %swap3A = arith.index_cast %scan3A_51 : i32 to index
      %swap3A_52 = arith.constant 0 : index
      %swap3A_53 = tpu.vector_load %arg13[%swap3A, %swap3A_52] {strides = array<i32>} : memref<128x128xf32, #tpu.memory_space<vmem>>, vector<1x16xf32>,
      %swap3A_54 = vector.shape_cast %swap3A_53 : vector<1x16xf32> to vector<16xf32>
      %swap3A_55 = vector.shape_cast %broadcast_in_dim3A_3 : vector<16xf32> to vector<1x16xf32>
      tpu.vector_store %arg13[%swap3A, %swap3A_52], %swap3A_55 {strides = array<i32>} : memref<128x128xf32, #tpu.memory_space<vmem>>, vector<1x16xf32>,
      %swap3A_56 = arith.index_cast %scan3A_51 : i32 to index
      %swap3A_57 = arith.constant 0 : index
      %swap3A_58 = tpu.vector_load %arg14[%swap3A_56, %swap3A_57] {strides = array<i32>} : memref<128x128xf32, #tpu.memory_space<vmem>>, vector<1x16xf32>,
      %swap3A_59 = vector.shape_cast %swap3A_58 : vector<1x16xf32> to vector<16xf32>
      %swap3A_60 = vector.shape_cast %broadcast_in_dim3A_3 : vector<16xf32> to vector<1x16xf32>
      tpu.vector_store %arg14[%swap3A_56, %swap3A_57], %swap3A_60 {strides = array<i32>} : memref<128x128xf32, #tpu.memory_space<vmem>>, vector<1x16xf32>,
      %swap3A_61 = arith.index_cast %scan3A_51 : i32 to index
      %swap3A_62 = arith.constant 16 : index
      %swap3A_63 = tpu.vector_load %arg13[%swap3A_61, %swap3A_62] {strides = array<i32>} : memref<128x128xf32, #tpu.memory_space<vmem>>, vector<1x16xf32>,
      %swap3A_64 = vector.shape_cast %swap3A_63 : vector<1x16xf32> to vector<16xf32>
      %swap3A_65 = vector.shape_cast %broadcast_in_dim3A_3 : vector<16xf32> to vector<1x16xf32>
      tpu.vector_store %arg13[%swap3A_61, %swap3A_62], %swap3A_65 {strides = array<i32>} : memref<128x128xf32, #tpu.memory_space<vmem>>, vector<1x16xf32>,
      %swap3A_66 = arith.index_cast %scan3A_51 : i32 to index
      %swap3A_67 = arith.constant 16 : index
      %swap3A_68 = tpu.vector_load %arg14[%swap3A_66, %swap3A_67] {strides = array<i32>} : memref<128x128xf32, #tpu.memory_space<vmem>>, vector<1x16xf32>,
      %swap3A_69 = vector.shape_cast %swap3A_68 : vector<1x16xf32> to vector<16xf32>
      %swap3A_70 = vector.shape_cast %broadcast_in_dim3A_3 : vector<16xf32> to vector<1x16xf32>
      tpu.vector_store %arg14[%swap3A_66, %swap3A_67], %swap3A_70 {strides = array<i32>} : memref<128x128xf32, #tpu.memory_space<vmem>>, vector<1x16xf32>,
      %swap3A_71 = arith.index_cast %scan3A_51 : i32 to index
      %swap3A_72 = arith.constant 32 : index
      %swap3A_73 = tpu.vector_load %arg13[%swap3A_71, %swap3A_72] {strides = array<i32>} : memref<128x128xf32, #tpu.memory_space<vmem>>, vector<1x16xf32>,
      %swap3A_74 = vector.shape_cast %swap3A_73 : vector<1x16xf32> to vector<16xf32>
      %swap3A_75 = vector.shape_cast %broadcast_in_dim3A_3 : vector<16xf32> to vector<1x16xf32>
      tpu.vector_store %arg13[%swap3A_71, %swap3A_72], %swap3A_75 {strides = array<i32>} : memref<128x128xf32, #tpu.memory_space<vmem>>, vector<1x16xf32>,
      %swap3A_76 = arith.index_cast %scan3A_51 : i32 to index
      %swap3A_77 = arith.constant 32 : index
      %swap3A_78 = tpu.vector_load %arg14[%swap3A_76, %swap3A_77] {strides = array<i32>} : memref<128x128xf32, #tpu.memory_space<vmem>>, vector<1x16xf32>,
      %swap3A_79 = vector.shape_cast %swap3A_78 : vector<1x16xf32> to vector<16xf32>
      %swap3A_80 = vector.shape_cast %broadcast_in_dim3A_3 : vector<16xf32> to vector<1x16xf32>
      tpu.vector_store %arg14[%swap3A_76, %swap3A_77], %swap3A_80 {strides = array<i32>} : memref<128x128xf32, #tpu.memory_space<vmem>>, vector<1x16xf32>,
      %swap3A_81 = arith.index_cast %scan3A_51 : i32 to index
      %swap3A_82 = arith.constant 48 : index
      %swap3A_83 = tpu.vector_load %arg13[%swap3A_81, %swap3A_82] {strides = array<i32>} : memref<128x128xf32, #tpu.memory_space<vmem>>, vector<1x16xf32>,
      %swap3A_84 = vector.shape_cast %swap3A_83 : vector<1x16xf32> to vector<16xf32>
      %swap3A_85 = vector.shape_cast %broadcast_in_dim3A_3 : vector<16xf32> to vector<1x16xf32>
      tpu.vector_store %arg13[%swap3A_81, %swap3A_82], %swap3A_85 {strides = array<i32>} : memref<128x128xf32, #tpu.memory_space<vmem>>, vector<1x16xf32>,
      %swap3A_86 = arith.index_cast %scan3A_51 : i32 to index
      %swap3A_87 = arith.constant 48 : index
      %swap3A_88 = tpu.vector_load %arg14[%swap3A_86, %swap3A_87] {strides = array<i32>} : memref<128x128xf32, #tpu.memory_space<vmem>>, vector<1x16xf32>,
      %swap3A_89 = vector.shape_cast %swap3A_88 : vector<1x16xf32> to vector<16xf32>
      %swap3A_90 = vector.shape_cast %broadcast_in_dim3A_3 : vector<16xf32> to vector<1x16xf32>
      tpu.vector_store %arg14[%swap3A_86, %swap3A_87], %swap3A_90 {strides = array<i32>} : memref<128x128xf32, #tpu.memory_space<vmem>>, vector<1x16xf32>,
      %swap3A_91 = arith.index_cast %scan3A_51 : i32 to index
      %swap3A_92 = arith.constant 64 : index
      %swap3A_93 = tpu.vector_load %arg13[%swap3A_91, %swap3A_92] {strides = array<i32>} : memref<128x128xf32, #tpu.memory_space<vmem>>, vector<1x16xf32>,
      %swap3A_94 = vector.shape_cast %swap3A_93 : vector<1x16xf32> to vector<16xf32>
      %swap3A_95 = vector.shape_cast %broadcast_in_dim3A_3 : vector<16xf32> to vector<1x16xf32>
      tpu.vector_store %arg13[%swap3A_91, %swap3A_92], %swap3A_95 {strides = array<i32>} : memref<128x128xf32, #tpu.memory_space<vmem>>, vector<1x16xf32>,
      %swap3A_96 = arith.index_cast %scan3A_51 : i32 to index
      %swap3A_97 = arith.constant 64 : index
      %swap3A_98 = tpu.vector_load %arg14[%swap3A_96, %swap3A_97] {strides = array<i32>} : memref<128x128xf32, #tpu.memory_space<vmem>>, vector<1x16xf32>,
      %swap3A_99 = vector.shape_cast %swap3A_98 : vector<1x16xf32> to vector<16xf32>
      %swap3A_100 = vector.shape_cast %broadcast_in_dim3A_3 : vector<16xf32> to vector<1x16xf32>
      tpu.vector_store %arg14[%swap3A_96, %swap3A_97], %swap3A_100 {strides = array<i32>} : memref<128x128xf32, #tpu.memory_space<vmem>>, vector<1x16xf32>,
      %swap3A_101 = arith.index_cast %scan3A_51 : i32 to index
      %swap3A_102 = arith.constant 80 : index
      %swap3A_103 = tpu.vector_load %arg13[%swap3A_101, %swap3A_102] {strides = array<i32>} : memref<128x128xf32, #tpu.memory_space<vmem>>, vector<1x16xf32>,
      %swap3A_104 = vector.shape_cast %swap3A_103 : vector<1x16xf32> to vector<16xf32>
      %swap3A_105 = vector.shape_cast %broadcast_in_dim3A_3 : vector<16xf32> to vector<1x16xf32>
      tpu.vector_store %arg13[%swap3A_101, %swap3A_102], %swap3A_105 {strides = array<i32>} : memref<128x128xf32, #tpu.memory_space<vmem>>, vector<1x16xf32>,
      %swap3A_106 = arith.index_cast %scan3A_51 : i32 to index
      %swap3A_107 = arith.constant 80 : index
      %swap3A_108 = tpu.vector_load %arg14[%swap3A_106, %swap3A_107] {strides = array<i32>} : memref<128x128xf32, #tpu.memory_space<vmem>>, vector<1x16xf32>,
      %swap3A_109 = vector.shape_cast %swap3A_108 : vector<1x16xf32> to vector<16xf32>
      %swap3A_110 = vector.shape_cast %broadcast_in_dim3A_3 : vector<16xf32> to vector<1x16xf32>
      tpu.vector_store %arg14[%swap3A_106, %swap3A_107], %swap3A_110 {strides = array<i32>} : memref<128x128xf32, #tpu.memory_space<vmem>>, vector<1x16xf32>,
      %swap3A_111 = arith.index_cast %scan3A_51 : i32 to index
      %swap3A_112 = arith.constant 96 : index
      %swap3A_113 = tpu.vector_load %arg13[%swap3A_111, %swap3A_112] {strides = array<i32>} : memref<128x128xf32, #tpu.memory_space<vmem>>, vector<1x16xf32>,
      %swap3A_114 = vector.shape_cast %swap3A_113 : vector<1x16xf32> to vector<16xf32>
      %swap3A_115 = vector.shape_cast %broadcast_in_dim3A_3 : vector<16xf32> to vector<1x16xf32>
      tpu.vector_store %arg13[%swap3A_111, %swap3A_112], %swap3A_115 {strides = array<i32>} : memref<128x128xf32, #tpu.memory_space<vmem>>, vector<1x16xf32>,
      %swap3A_116 = arith.index_cast %scan3A_51 : i32 to index
      %swap3A_117 = arith.constant 96 : index
      %swap3A_118 = tpu.vector_load %arg14[%swap3A_116, %swap3A_117] {strides = array<i32>} : memref<128x128xf32, #tpu.memory_space<vmem>>, vector<1x16xf32>,
      %swap3A_119 = vector.shape_cast %swap3A_118 : vector<1x16xf32> to vector<16xf32>
      %swap3A_120 = vector.shape_cast %broadcast_in_dim3A_3 : vector<16xf32> to vector<1x16xf32>
      tpu.vector_store %arg14[%swap3A_116, %swap3A_117], %swap3A_120 {strides = array<i32>} : memref<128x128xf32, #tpu.memory_space<vmem>>, vector<1x16xf32>,
      %swap3A_121 = arith.index_cast %scan3A_51 : i32 to index
      %swap3A_122 = arith.constant 112 : index
      %swap3A_123 = tpu.vector_load %arg13[%swap3A_121, %swap3A_122] {strides = array<i32>} : memref<128x128xf32, #tpu.memory_space<vmem>>, vector<1x16xf32>,
      %swap3A_124 = vector.shape_cast %swap3A_123 : vector<1x16xf32> to vector<16xf32>
      %swap3A_125 = vector.shape_cast %broadcast_in_dim3A_3 : vector<16xf32> to vector<1x16xf32>
      tpu.vector_store %arg13[%swap3A_121, %swap3A_122], %swap3A_125 {strides = array<i32>} : memref<128x128xf32, #tpu.memory_space<vmem>>, vector<1x16xf32>,
      %swap3A_126 = arith.index_cast %scan3A_51 : i32 to index
      %swap3A_127 = arith.constant 112 : index
      %swap3A_128 = tpu.vector_load %arg14[%swap3A_126, %swap3A_127] {strides = array<i32>} : memref<128x128xf32, #tpu.memory_space<vmem>>, vector<1x16xf32>,
      %swap3A_129 = vector.shape_cast %swap3A_128 : vector<1x16xf32> to vector<16xf32>
      %swap3A_130 = vector.shape_cast %broadcast_in_dim3A_3 : vector<16xf32> to vector<1x16xf32>
      tpu.vector_store %arg14[%swap3A_126, %swap3A_127], %swap3A_130 {strides = array<i32>} : memref<128x128xf32, #tpu.memory_space<vmem>>, vector<1x16xf32>,
    }
    %scan3A_8 = arith.constant 128 : i32
    %mul3A_9 = arith.constant 320 : i32
    %mul3A_10 = arith.muli %arg1, %mul3A_9 : i32
    %add3A_11 = arith.constant 0 : i32
    %add3A_12 = arith.addi %mul3A_10, %add3A_11 : i32
    "tpu.region"() ({
      %run_scoped3A = tpu.sem_alloc : memref<!tpu.dma_semaphore, #tpu.memory_space<semaphore_mem>>
      %dma_start3A = tpu.memref_slice %arg6[%add3A_12] : memref<10240xi32, #tpu.memory_space<hbm>> -> memref<128xi32, #tpu.memory_space<hbm>>
      %dma_start3A_51 = tpu.memref_slice %arg6[%add3A_12] : memref<10240xi32, #tpu.memory_space<hbm>> -> memref<128xi32, #tpu.memory_space<hbm>>
      tpu.enqueue_dma source(%dma_start3A_51 : memref<128xi32, #tpu.memory_space<hbm>>) target(%arg8 : memref<128xi32, #tpu.memory_space<vmem>>) target_semaphore(%run_scoped3A : memref<!tpu.dma_semaphore, #tpu.memory_space<semaphore_mem>>)
      %dma_wait3A = tpu.memref_slice %arg6[%add3A_12] : memref<10240xi32, #tpu.memory_space<hbm>> -> memref<128xi32, #tpu.memory_space<hbm>>
      %dma_wait3A_52 = tpu.memref_slice %arg6[%add3A_12] : memref<10240xi32, #tpu.memory_space<hbm>> -> memref<128xi32, #tpu.memory_space<hbm>>
      tpu.wait_dma2 semaphore(%run_scoped3A : memref<!tpu.dma_semaphore, #tpu.memory_space<semaphore_mem>>) src(%dma_wait3A_52 : memref<128xi32, #tpu.memory_space<hbm>>) dst(%arg8 : memref<128xi32, #tpu.memory_space<vmem>>)
      tpu.yield
    }) : () -> ()
    "tpu.region"() ({
      %run_scoped3A = tpu.sem_alloc : memref<!tpu.dma_semaphore, #tpu.memory_space<semaphore_mem>>
      %dma_start3A = arith.constant 0 : i32
      %dma_start3A_51 = arith.constant 0 : i32
      %dma_start3A_52 = tpu.memref_slice %arg17[%dma_start3A, %dma_start3A_51] : memref<5128x128xf32, #tpu.memory_space<vmem_shared>> -> memref<5128x128xf32, #tpu.memory_space<vmem_shared>>
      tpu.enqueue_indirect_dma source(%arg13 : memref<128x128xf32, #tpu.memory_space<vmem>>) target(%dma_start3A_52 : memref<5128x128xf32, #tpu.memory_space<vmem_shared>>) offsets(%arg8 : memref<128xi32, #tpu.memory_space<vmem>>) semaphore(%run_scoped3A : memref<!tpu.dma_semaphore, #tpu.memory_space<semaphore_mem>>)
      %dma_wait3A = arith.constant 0 : i32
      %dma_wait3A_53 = arith.constant 0 : i32
      %dma_wait3A_54 = tpu.memref_slice %arg17[%dma_wait3A, %dma_wait3A_53] : memref<5128x128xf32, #tpu.memory_space<vmem_shared>> -> memref<5128x128xf32, #tpu.memory_space<vmem_shared>>
      tpu.wait_indirect_dma semaphore(%run_scoped3A : memref<!tpu.dma_semaphore, #tpu.memory_space<semaphore_mem>>) src(%arg13 : memref<128x128xf32, #tpu.memory_space<vmem>>) dst(%dma_wait3A_54 : memref<5128x128xf32, #tpu.memory_space<vmem_shared>>)
      tpu.yield
    }) : () -> ()
    %mul3A_13 = arith.constant 320 : i32
    %mul3A_14 = arith.muli %arg1, %mul3A_13 : i32
    %add3A_15 = arith.constant 128 : i32
    %add3A_16 = arith.addi %mul3A_14, %add3A_15 : i32
    "tpu.region"() ({
      %run_scoped3A = tpu.sem_alloc : memref<!tpu.dma_semaphore, #tpu.memory_space<semaphore_mem>>
      %dma_start3A = tpu.memref_slice %arg6[%add3A_16] : memref<10240xi32, #tpu.memory_space<hbm>> -> memref<128xi32, #tpu.memory_space<hbm>>
      %dma_start3A_51 = tpu.memref_slice %arg6[%add3A_16] : memref<10240xi32, #tpu.memory_space<hbm>> -> memref<128xi32, #tpu.memory_space<hbm>>
      tpu.enqueue_dma source(%dma_start3A_51 : memref<128xi32, #tpu.memory_space<hbm>>) target(%arg8 : memref<128xi32, #tpu.memory_space<vmem>>) target_semaphore(%run_scoped3A : memref<!tpu.dma_semaphore, #tpu.memory_space<semaphore_mem>>)
      %dma_wait3A = tpu.memref_slice %arg6[%add3A_16] : memref<10240xi32, #tpu.memory_space<hbm>> -> memref<128xi32, #tpu.memory_space<hbm>>
      %dma_wait3A_52 = tpu.memref_slice %arg6[%add3A_16] : memref<10240xi32, #tpu.memory_space<hbm>> -> memref<128xi32, #tpu.memory_space<hbm>>
      tpu.wait_dma2 semaphore(%run_scoped3A : memref<!tpu.dma_semaphore, #tpu.memory_space<semaphore_mem>>) src(%dma_wait3A_52 : memref<128xi32, #tpu.memory_space<hbm>>) dst(%arg8 : memref<128xi32, #tpu.memory_space<vmem>>)
      tpu.yield
    }) : () -> ()
    "tpu.region"() ({
      %run_scoped3A = tpu.sem_alloc : memref<!tpu.dma_semaphore, #tpu.memory_space<semaphore_mem>>
      %dma_start3A = arith.constant 0 : i32
      %dma_start3A_51 = arith.constant 0 : i32
      %dma_start3A_52 = tpu.memref_slice %arg17[%dma_start3A, %dma_start3A_51] : memref<5128x128xf32, #tpu.memory_space<vmem_shared>> -> memref<5128x128xf32, #tpu.memory_space<vmem_shared>>
      tpu.enqueue_indirect_dma source(%arg13 : memref<128x128xf32, #tpu.memory_space<vmem>>) target(%dma_start3A_52 : memref<5128x128xf32, #tpu.memory_space<vmem_shared>>) offsets(%arg8 : memref<128xi32, #tpu.memory_space<vmem>>) semaphore(%run_scoped3A : memref<!tpu.dma_semaphore, #tpu.memory_space<semaphore_mem>>)
      %dma_wait3A = arith.constant 0 : i32
      %dma_wait3A_53 = arith.constant 0 : i32
      %dma_wait3A_54 = tpu.memref_slice %arg17[%dma_wait3A, %dma_wait3A_53] : memref<5128x128xf32, #tpu.memory_space<vmem_shared>> -> memref<5128x128xf32, #tpu.memory_space<vmem_shared>>
      tpu.wait_indirect_dma semaphore(%run_scoped3A : memref<!tpu.dma_semaphore, #tpu.memory_space<semaphore_mem>>) src(%arg13 : memref<128x128xf32, #tpu.memory_space<vmem>>) dst(%dma_wait3A_54 : memref<5128x128xf32, #tpu.memory_space<vmem_shared>>)
      tpu.yield
    }) : () -> ()
    %mul3A_17 = arith.constant 320 : i32
    %mul3A_18 = arith.muli %arg1, %mul3A_17 : i32
    %add3A_19 = arith.constant 192 : i32
    %add3A_20 = arith.addi %mul3A_18, %add3A_19 : i32
    "tpu.region"() ({
      %run_scoped3A = tpu.sem_alloc : memref<!tpu.dma_semaphore, #tpu.memory_space<semaphore_mem>>
      %dma_start3A = tpu.memref_slice %arg6[%add3A_20] : memref<10240xi32, #tpu.memory_space<hbm>> -> memref<128xi32, #tpu.memory_space<hbm>>
      %dma_start3A_51 = tpu.memref_slice %arg6[%add3A_20] : memref<10240xi32, #tpu.memory_space<hbm>> -> memref<128xi32, #tpu.memory_space<hbm>>
      tpu.enqueue_dma source(%dma_start3A_51 : memref<128xi32, #tpu.memory_space<hbm>>) target(%arg8 : memref<128xi32, #tpu.memory_space<vmem>>) target_semaphore(%run_scoped3A : memref<!tpu.dma_semaphore, #tpu.memory_space<semaphore_mem>>)
      %dma_wait3A = tpu.memref_slice %arg6[%add3A_20] : memref<10240xi32, #tpu.memory_space<hbm>> -> memref<128xi32, #tpu.memory_space<hbm>>
      %dma_wait3A_52 = tpu.memref_slice %arg6[%add3A_20] : memref<10240xi32, #tpu.memory_space<hbm>> -> memref<128xi32, #tpu.memory_space<hbm>>
      tpu.wait_dma2 semaphore(%run_scoped3A : memref<!tpu.dma_semaphore, #tpu.memory_space<semaphore_mem>>) src(%dma_wait3A_52 : memref<128xi32, #tpu.memory_space<hbm>>) dst(%arg8 : memref<128xi32, #tpu.memory_space<vmem>>)
      tpu.yield
    }) : () -> ()
    "tpu.region"() ({
      %run_scoped3A = tpu.sem_alloc : memref<!tpu.dma_semaphore, #tpu.memory_space<semaphore_mem>>
      %dma_start3A = arith.constant 0 : i32
      %dma_start3A_51 = arith.constant 0 : i32
      %dma_start3A_52 = tpu.memref_slice %arg17[%dma_start3A, %dma_start3A_51] : memref<5128x128xf32, #tpu.memory_space<vmem_shared>> -> memref<5128x128xf32, #tpu.memory_space<vmem_shared>>
      tpu.enqueue_indirect_dma source(%arg13 : memref<128x128xf32, #tpu.memory_space<vmem>>) target(%dma_start3A_52 : memref<5128x128xf32, #tpu.memory_space<vmem_shared>>) offsets(%arg8 : memref<128xi32, #tpu.memory_space<vmem>>) semaphore(%run_scoped3A : memref<!tpu.dma_semaphore, #tpu.memory_space<semaphore_mem>>)
      %dma_wait3A = arith.constant 0 : i32
      %dma_wait3A_53 = arith.constant 0 : i32
      %dma_wait3A_54 = tpu.memref_slice %arg17[%dma_wait3A, %dma_wait3A_53] : memref<5128x128xf32, #tpu.memory_space<vmem_shared>> -> memref<5128x128xf32, #tpu.memory_space<vmem_shared>>
      tpu.wait_indirect_dma semaphore(%run_scoped3A : memref<!tpu.dma_semaphore, #tpu.memory_space<semaphore_mem>>) src(%arg13 : memref<128x128xf32, #tpu.memory_space<vmem>>) dst(%dma_wait3A_54 : memref<5128x128xf32, #tpu.memory_space<vmem_shared>>)
      tpu.yield
    }) : () -> ()
    %eq3A = arith.constant 0 : i32
    %eq3A_21 = arith.cmpi eq, %arg1, %eq3A : i32
    %convert_element_type3A = arith.extui %eq3A_21 : i1 to i32
    %cond3A = arith.constant 0 : i32
    %cond3A_22 = arith.cmpi ne, %convert_element_type3A, %cond3A : i32
    scf.if %cond3A_22 {
      "tpu.region"() ({
        %run_scoped3A = tpu.sem_alloc : memref<!tpu.dma_semaphore, #tpu.memory_space<semaphore_mem>>
        %dma_start3A = arith.constant 5000 : i32
        %dma_start3A_51 = tpu.memref_slice %arg6[%dma_start3A] : memref<10240xi32, #tpu.memory_space<hbm>> -> memref<128xi32, #tpu.memory_space<hbm>>
        %dma_start3A_52 = arith.constant 5000 : i32
        %dma_start3A_53 = tpu.memref_slice %arg6[%dma_start3A_52] : memref<10240xi32, #tpu.memory_space<hbm>> -> memref<128xi32, #tpu.memory_space<hbm>>
        tpu.enqueue_dma source(%dma_start3A_53 : memref<128xi32, #tpu.memory_space<hbm>>) target(%arg8 : memref<128xi32, #tpu.memory_space<vmem>>) target_semaphore(%run_scoped3A : memref<!tpu.dma_semaphore, #tpu.memory_space<semaphore_mem>>)
        %dma_wait3A = arith.constant 5000 : i32
        %dma_wait3A_54 = tpu.memref_slice %arg6[%dma_wait3A] : memref<10240xi32, #tpu.memory_space<hbm>> -> memref<128xi32, #tpu.memory_space<hbm>>
        %dma_wait3A_55 = arith.constant 5000 : i32
        %dma_wait3A_56 = tpu.memref_slice %arg6[%dma_wait3A_55] : memref<10240xi32, #tpu.memory_space<hbm>> -> memref<128xi32, #tpu.memory_space<hbm>>
        tpu.wait_dma2 semaphore(%run_scoped3A : memref<!tpu.dma_semaphore, #tpu.memory_space<semaphore_mem>>) src(%dma_wait3A_56 : memref<128xi32, #tpu.memory_space<hbm>>) dst(%arg8 : memref<128xi32, #tpu.memory_space<vmem>>)
        tpu.yield
      }) : () -> ()
      "tpu.region"() ({
        %run_scoped3A = tpu.sem_alloc : memref<!tpu.dma_semaphore, #tpu.memory_space<semaphore_mem>>
        %dma_start3A = arith.constant 0 : i32
        %dma_start3A_51 = arith.constant 0 : i32
        %dma_start3A_52 = tpu.memref_slice %arg17[%dma_start3A, %dma_start3A_51] : memref<5128x128xf32, #tpu.memory_space<vmem_shared>> -> memref<5128x128xf32, #tpu.memory_space<vmem_shared>>
        tpu.enqueue_indirect_dma source(%arg13 : memref<128x128xf32, #tpu.memory_space<vmem>>) target(%dma_start3A_52 : memref<5128x128xf32, #tpu.memory_space<vmem_shared>>) offsets(%arg8 : memref<128xi32, #tpu.memory_space<vmem>>) semaphore(%run_scoped3A : memref<!tpu.dma_semaphore, #tpu.memory_space<semaphore_mem>>)
        %dma_wait3A = arith.constant 0 : i32
        %dma_wait3A_53 = arith.constant 0 : i32
        %dma_wait3A_54 = tpu.memref_slice %arg17[%dma_wait3A, %dma_wait3A_53] : memref<5128x128xf32, #tpu.memory_space<vmem_shared>> -> memref<5128x128xf32, #tpu.memory_space<vmem_shared>>
        tpu.wait_indirect_dma semaphore(%run_scoped3A : memref<!tpu.dma_semaphore, #tpu.memory_space<semaphore_mem>>) src(%arg13 : memref<128x128xf32, #tpu.memory_space<vmem>>) dst(%dma_wait3A_54 : memref<5128x128xf32, #tpu.memory_space<vmem_shared>>)
        tpu.yield
      }) : () -> ()
    } else {
    }
    %barrier3A = arith.constant 0 : index
    tpu.barrier barrier_id(%barrier3A)
    %scan3A_23 = arith.constant 0 : i32
    %scan3A_24 = arith.constant 0 : i32
    %scan3A_25 = arith.constant 80 : i32
    %scan3A_26 = arith.addi %scan3A_24, %scan3A_25 : i32
    %scan3A_27 = arith.constant 1 : i32
    scf.for %scan3A_51 = %scan3A_24 to %scan3A_26 step %scan3A_27  : i32 {
      %mul3A_52 = arith.constant 128 : i32
      %mul3A_53 = arith.muli %scan3A_51, %mul3A_52 : i32
      %add3A_54 = arith.addi %mul3A_2, %mul3A_53 : i32
      "tpu.region"() ({
        %run_scoped3A = tpu.sem_alloc : memref<!tpu.dma_semaphore, #tpu.memory_space<semaphore_mem>>
        %dma_start3A_305 = tpu.memref_slice %arg2[%add3A_54] : memref<327680xi32, #tpu.memory_space<hbm>> -> memref<128xi32, #tpu.memory_space<hbm>>
        %dma_start3A_306 = tpu.memref_slice %arg2[%add3A_54] : memref<327680xi32, #tpu.memory_space<hbm>> -> memref<128xi32, #tpu.memory_space<hbm>>
        tpu.enqueue_dma source(%dma_start3A_306 : memref<128xi32, #tpu.memory_space<hbm>>) target(%arg8 : memref<128xi32, #tpu.memory_space<vmem>>) target_semaphore(%run_scoped3A : memref<!tpu.dma_semaphore, #tpu.memory_space<semaphore_mem>>)
        %dma_wait3A_307 = tpu.memref_slice %arg2[%add3A_54] : memref<327680xi32, #tpu.memory_space<hbm>> -> memref<128xi32, #tpu.memory_space<hbm>>
        %dma_wait3A_308 = tpu.memref_slice %arg2[%add3A_54] : memref<327680xi32, #tpu.memory_space<hbm>> -> memref<128xi32, #tpu.memory_space<hbm>>
        tpu.wait_dma2 semaphore(%run_scoped3A : memref<!tpu.dma_semaphore, #tpu.memory_space<semaphore_mem>>) src(%dma_wait3A_308 : memref<128xi32, #tpu.memory_space<hbm>>) dst(%arg8 : memref<128xi32, #tpu.memory_space<vmem>>)
        tpu.yield
      }) : () -> ()
      "tpu.region"() ({
        %run_scoped3A = tpu.sem_alloc : memref<!tpu.dma_semaphore, #tpu.memory_space<semaphore_mem>>
        %dma_start3A_305 = tpu.memref_slice %arg3[%add3A_54] : memref<327680xi32, #tpu.memory_space<hbm>> -> memref<128xi32, #tpu.memory_space<hbm>>
        %dma_start3A_306 = tpu.memref_slice %arg3[%add3A_54] : memref<327680xi32, #tpu.memory_space<hbm>> -> memref<128xi32, #tpu.memory_space<hbm>>
        tpu.enqueue_dma source(%dma_start3A_306 : memref<128xi32, #tpu.memory_space<hbm>>) target(%arg9 : memref<128xi32, #tpu.memory_space<vmem>>) target_semaphore(%run_scoped3A : memref<!tpu.dma_semaphore, #tpu.memory_space<semaphore_mem>>)
        %dma_wait3A_307 = tpu.memref_slice %arg3[%add3A_54] : memref<327680xi32, #tpu.memory_space<hbm>> -> memref<128xi32, #tpu.memory_space<hbm>>
        %dma_wait3A_308 = tpu.memref_slice %arg3[%add3A_54] : memref<327680xi32, #tpu.memory_space<hbm>> -> memref<128xi32, #tpu.memory_space<hbm>>
        tpu.wait_dma2 semaphore(%run_scoped3A : memref<!tpu.dma_semaphore, #tpu.memory_space<semaphore_mem>>) src(%dma_wait3A_308 : memref<128xi32, #tpu.memory_space<hbm>>) dst(%arg9 : memref<128xi32, #tpu.memory_space<vmem>>)
        tpu.yield
      }) : () -> ()
      %dma_start3A = arith.constant 0 : i32
      %dma_start3A_55 = arith.constant 0 : i32
      %dma_start3A_56 = tpu.memref_slice %arg4[%dma_start3A, %dma_start3A_55] : memref<10000x128xf32, #tpu.memory_space<hbm>> -> memref<10000x128xf32, #tpu.memory_space<hbm>>
      tpu.enqueue_indirect_dma source(%dma_start3A_56 : memref<10000x128xf32, #tpu.memory_space<hbm>>) target(%arg10 : memref<128x128xf32, #tpu.memory_space<vmem>>) offsets(%arg8 : memref<128xi32, #tpu.memory_space<vmem>>) semaphore(%arg18 : memref<!tpu.dma_semaphore, #tpu.memory_space<semaphore_mem>>)
      %dma_start3A_57 = arith.constant 0 : i32
      %dma_start3A_58 = arith.constant 0 : i32
      %dma_start3A_59 = tpu.memref_slice %arg4[%dma_start3A_57, %dma_start3A_58] : memref<10000x128xf32, #tpu.memory_space<hbm>> -> memref<10000x128xf32, #tpu.memory_space<hbm>>
      tpu.enqueue_indirect_dma source(%dma_start3A_59 : memref<10000x128xf32, #tpu.memory_space<hbm>>) target(%arg11 : memref<128x128xf32, #tpu.memory_space<vmem>>) offsets(%arg9 : memref<128xi32, #tpu.memory_space<vmem>>) semaphore(%arg19 : memref<!tpu.dma_semaphore, #tpu.memory_space<semaphore_mem>>)
      %dma_start3A_60 = arith.constant 0 : i32
      %dma_start3A_61 = tpu.memref_slice %arg5[%add3A_54, %dma_start3A_60] : memref<327680x128xf32, #tpu.memory_space<hbm>> -> memref<128x128xf32, #tpu.memory_space<hbm>>
      %dma_start3A_62 = arith.constant 0 : i32
      %dma_start3A_63 = tpu.memref_slice %arg5[%add3A_54, %dma_start3A_62] : memref<327680x128xf32, #tpu.memory_space<hbm>> -> memref<128x128xf32, #tpu.memory_space<hbm>>
      tpu.enqueue_dma source(%dma_start3A_63 : memref<128x128xf32, #tpu.memory_space<hbm>>) target(%arg12 : memref<128x128xf32, #tpu.memory_space<vmem>>) target_semaphore(%arg20 : memref<!tpu.dma_semaphore, #tpu.memory_space<semaphore_mem>>)
      %dma_wait3A = arith.constant 0 : i32
      %dma_wait3A_64 = arith.constant 0 : i32
      %dma_wait3A_65 = tpu.memref_slice %arg4[%dma_wait3A, %dma_wait3A_64] : memref<10000x128xf32, #tpu.memory_space<hbm>> -> memref<10000x128xf32, #tpu.memory_space<hbm>>
      tpu.wait_indirect_dma semaphore(%arg18 : memref<!tpu.dma_semaphore, #tpu.memory_space<semaphore_mem>>) src(%dma_wait3A_65 : memref<10000x128xf32, #tpu.memory_space<hbm>>) dst(%arg10 : memref<128x128xf32, #tpu.memory_space<vmem>>)
      %dma_wait3A_66 = arith.constant 0 : i32
      %dma_wait3A_67 = arith.constant 0 : i32
      %dma_wait3A_68 = tpu.memref_slice %arg4[%dma_wait3A_66, %dma_wait3A_67] : memref<10000x128xf32, #tpu.memory_space<hbm>> -> memref<10000x128xf32, #tpu.memory_space<hbm>>
      tpu.wait_indirect_dma semaphore(%arg19 : memref<!tpu.dma_semaphore, #tpu.memory_space<semaphore_mem>>) src(%dma_wait3A_68 : memref<10000x128xf32, #tpu.memory_space<hbm>>) dst(%arg11 : memref<128x128xf32, #tpu.memory_space<vmem>>)
      %dma_wait3A_69 = arith.constant 0 : i32
      %dma_wait3A_70 = tpu.memref_slice %arg5[%add3A_54, %dma_wait3A_69] : memref<327680x128xf32, #tpu.memory_space<hbm>> -> memref<128x128xf32, #tpu.memory_space<hbm>>
      %dma_wait3A_71 = arith.constant 0 : i32
      %dma_wait3A_72 = tpu.memref_slice %arg5[%add3A_54, %dma_wait3A_71] : memref<327680x128xf32, #tpu.memory_space<hbm>> -> memref<128x128xf32, #tpu.memory_space<hbm>>
      tpu.wait_dma2 semaphore(%arg20 : memref<!tpu.dma_semaphore, #tpu.memory_space<semaphore_mem>>) src(%dma_wait3A_72 : memref<128x128xf32, #tpu.memory_space<hbm>>) dst(%arg12 : memref<128x128xf32, #tpu.memory_space<vmem>>)
      %scan3A_73 = arith.constant 0 : i32
      %scan3A_74 = arith.constant 0 : i32
      %scan3A_75 = arith.constant 128 : i32
      %scan3A_76 = arith.addi %scan3A_74, %scan3A_75 : i32
      %scan3A_77 = arith.constant 1 : i32
      scf.for %scan3A_305 = %scan3A_74 to %scan3A_76 step %scan3A_77  : i32 {
        %get3A_306 = arith.index_cast %scan3A_305 : i32 to index
        %get3A_307 = arith.constant 64 : index
        %get3A_308 = tpu.vector_load %arg10[%get3A_306, %get3A_307] {strides = array<i32>} : memref<128x128xf32, #tpu.memory_space<vmem>>, vector<1x16xf32>,
        %get3A_309 = vector.shape_cast %get3A_308 : vector<1x16xf32> to vector<16xf32>
        %get3A_310 = arith.index_cast %scan3A_305 : i32 to index
        %get3A_311 = arith.constant 64 : index
        %get3A_312 = tpu.vector_load %arg11[%get3A_310, %get3A_311] {strides = array<i32>} : memref<128x128xf32, #tpu.memory_space<vmem>>, vector<1x16xf32>,
        %get3A_313 = vector.shape_cast %get3A_312 : vector<1x16xf32> to vector<16xf32>
        %abs3A = math.absf %get3A_309 : vector<16xf32>
        %abs3A_314 = math.absf %get3A_313 : vector<16xf32>
        %add3A_315 = arith.addf %abs3A, %abs3A_314 : vector<16xf32>
        %gt3A = arith.constant 0.000000e+00 : f32
        %gt3A_316 = vector.broadcast %gt3A : f32 to vector<16xf32>
        %gt3A_317 = arith.cmpf ogt, %add3A_315, %gt3A_316 : vector<16xf32>
        %jit3A_318 = arith.constant 1.000000e+00 : f32
        %jit3A_319 = arith.constant 0.000000e+00 : f32
        %broadcast_in_dim3A_320 = vector.broadcast %jit3A_318 : f32 to vector<16xf32>
        %broadcast_in_dim3A_321 = vector.broadcast %jit3A_319 : f32 to vector<16xf32>
        %select_n3A_322 = arith.select %gt3A_317, %broadcast_in_dim3A_320, %broadcast_in_dim3A_321 : vector<16xi1>, vector<16xf32>
        %get3A_323 = arith.index_cast %scan3A_305 : i32 to index
        %get3A_324 = arith.constant 0 : index
        %get3A_325 = tpu.vector_load %arg11[%get3A_323, %get3A_324] {strides = array<i32>} : memref<128x128xf32, #tpu.memory_space<vmem>>, vector<1x16xf32>,
        %get3A_326 = vector.shape_cast %get3A_325 : vector<1x16xf32> to vector<16xf32>
        %get3A_327 = arith.index_cast %scan3A_305 : i32 to index
        %get3A_328 = arith.constant 0 : index
        %get3A_329 = tpu.vector_load %arg10[%get3A_327, %get3A_328] {strides = array<i32>} : memref<128x128xf32, #tpu.memory_space<vmem>>, vector<1x16xf32>,
        %get3A_330 = vector.shape_cast %get3A_329 : vector<1x16xf32> to vector<16xf32>
        %sub3A = arith.subf %get3A_326, %get3A_330 : vector<16xf32>
        %get3A_331 = arith.index_cast %scan3A_305 : i32 to index
        %get3A_332 = arith.constant 0 : index
        %get3A_333 = tpu.vector_load %arg12[%get3A_331, %get3A_332] {strides = array<i32>} : memref<128x128xf32, #tpu.memory_space<vmem>>, vector<1x16xf32>,
        %get3A_334 = vector.shape_cast %get3A_333 : vector<1x16xf32> to vector<16xf32>
        %mul3A_335 = arith.mulf %sub3A, %get3A_334 : vector<16xf32>
        %mul3A_336 = arith.mulf %mul3A_335, %select_n3A_322 : vector<16xf32>
        %swap3A_337 = arith.index_cast %scan3A_305 : i32 to index
        %swap3A_338 = arith.constant 0 : index
        %swap3A_339 = tpu.vector_load %arg13[%swap3A_337, %swap3A_338] {strides = array<i32>} : memref<128x128xf32, #tpu.memory_space<vmem>>, vector<1x16xf32>,
        %swap3A_340 = vector.shape_cast %swap3A_339 : vector<1x16xf32> to vector<16xf32>
        %swap3A_341 = vector.shape_cast %mul3A_336 : vector<16xf32> to vector<1x16xf32>
        tpu.vector_store %arg13[%swap3A_337, %swap3A_338], %swap3A_341 {strides = array<i32>} : memref<128x128xf32, #tpu.memory_space<vmem>>, vector<1x16xf32>,
        %swap3A_342 = arith.index_cast %scan3A_305 : i32 to index
        %swap3A_343 = arith.constant 64 : index
        %swap3A_344 = tpu.vector_load %arg14[%swap3A_342, %swap3A_343] {strides = array<i32>} : memref<128x128xf32, #tpu.memory_space<vmem>>, vector<1x16xf32>,
        %swap3A_345 = vector.shape_cast %swap3A_344 : vector<1x16xf32> to vector<16xf32>
        %swap3A_346 = vector.shape_cast %mul3A_336 : vector<16xf32> to vector<1x16xf32>
        tpu.vector_store %arg14[%swap3A_342, %swap3A_343], %swap3A_346 {strides = array<i32>} : memref<128x128xf32, #tpu.memory_space<vmem>>, vector<1x16xf32>,
        %get3A_347 = arith.index_cast %scan3A_305 : i32 to index
        %get3A_348 = arith.constant 16 : index
        %get3A_349 = tpu.vector_load %arg11[%get3A_347, %get3A_348] {strides = array<i32>} : memref<128x128xf32, #tpu.memory_space<vmem>>, vector<1x16xf32>,
        %get3A_350 = vector.shape_cast %get3A_349 : vector<1x16xf32> to vector<16xf32>
        %get3A_351 = arith.index_cast %scan3A_305 : i32 to index
        %get3A_352 = arith.constant 16 : index
        %get3A_353 = tpu.vector_load %arg10[%get3A_351, %get3A_352] {strides = array<i32>} : memref<128x128xf32, #tpu.memory_space<vmem>>, vector<1x16xf32>,
        %get3A_354 = vector.shape_cast %get3A_353 : vector<1x16xf32> to vector<16xf32>
        %sub3A_355 = arith.subf %get3A_350, %get3A_354 : vector<16xf32>
        %get3A_356 = arith.index_cast %scan3A_305 : i32 to index
        %get3A_357 = arith.constant 16 : index
        %get3A_358 = tpu.vector_load %arg12[%get3A_356, %get3A_357] {strides = array<i32>} : memref<128x128xf32, #tpu.memory_space<vmem>>, vector<1x16xf32>,
        %get3A_359 = vector.shape_cast %get3A_358 : vector<1x16xf32> to vector<16xf32>
        %mul3A_360 = arith.mulf %sub3A_355, %get3A_359 : vector<16xf32>
        %mul3A_361 = arith.mulf %mul3A_360, %select_n3A_322 : vector<16xf32>
        %swap3A_362 = arith.index_cast %scan3A_305 : i32 to index
        %swap3A_363 = arith.constant 16 : index
        %swap3A_364 = tpu.vector_load %arg13[%swap3A_362, %swap3A_363] {strides = array<i32>} : memref<128x128xf32, #tpu.memory_space<vmem>>, vector<1x16xf32>,
        %swap3A_365 = vector.shape_cast %swap3A_364 : vector<1x16xf32> to vector<16xf32>
        %swap3A_366 = vector.shape_cast %mul3A_361 : vector<16xf32> to vector<1x16xf32>
        tpu.vector_store %arg13[%swap3A_362, %swap3A_363], %swap3A_366 {strides = array<i32>} : memref<128x128xf32, #tpu.memory_space<vmem>>, vector<1x16xf32>,
        %swap3A_367 = arith.index_cast %scan3A_305 : i32 to index
        %swap3A_368 = arith.constant 80 : index
        %swap3A_369 = tpu.vector_load %arg14[%swap3A_367, %swap3A_368] {strides = array<i32>} : memref<128x128xf32, #tpu.memory_space<vmem>>, vector<1x16xf32>,
        %swap3A_370 = vector.shape_cast %swap3A_369 : vector<1x16xf32> to vector<16xf32>
        %swap3A_371 = vector.shape_cast %mul3A_361 : vector<16xf32> to vector<1x16xf32>
        tpu.vector_store %arg14[%swap3A_367, %swap3A_368], %swap3A_371 {strides = array<i32>} : memref<128x128xf32, #tpu.memory_space<vmem>>, vector<1x16xf32>,
        %get3A_372 = arith.index_cast %scan3A_305 : i32 to index
        %get3A_373 = arith.constant 32 : index
        %get3A_374 = tpu.vector_load %arg11[%get3A_372, %get3A_373] {strides = array<i32>} : memref<128x128xf32, #tpu.memory_space<vmem>>, vector<1x16xf32>,
        %get3A_375 = vector.shape_cast %get3A_374 : vector<1x16xf32> to vector<16xf32>
        %get3A_376 = arith.index_cast %scan3A_305 : i32 to index
        %get3A_377 = arith.constant 32 : index
        %get3A_378 = tpu.vector_load %arg10[%get3A_376, %get3A_377] {strides = array<i32>} : memref<128x128xf32, #tpu.memory_space<vmem>>, vector<1x16xf32>,
        %get3A_379 = vector.shape_cast %get3A_378 : vector<1x16xf32> to vector<16xf32>
        %sub3A_380 = arith.subf %get3A_375, %get3A_379 : vector<16xf32>
        %get3A_381 = arith.index_cast %scan3A_305 : i32 to index
        %get3A_382 = arith.constant 32 : index
        %get3A_383 = tpu.vector_load %arg12[%get3A_381, %get3A_382] {strides = array<i32>} : memref<128x128xf32, #tpu.memory_space<vmem>>, vector<1x16xf32>,
        %get3A_384 = vector.shape_cast %get3A_383 : vector<1x16xf32> to vector<16xf32>
        %mul3A_385 = arith.mulf %sub3A_380, %get3A_384 : vector<16xf32>
        %mul3A_386 = arith.mulf %mul3A_385, %select_n3A_322 : vector<16xf32>
        %swap3A_387 = arith.index_cast %scan3A_305 : i32 to index
        %swap3A_388 = arith.constant 32 : index
        %swap3A_389 = tpu.vector_load %arg13[%swap3A_387, %swap3A_388] {strides = array<i32>} : memref<128x128xf32, #tpu.memory_space<vmem>>, vector<1x16xf32>,
        %swap3A_390 = vector.shape_cast %swap3A_389 : vector<1x16xf32> to vector<16xf32>
        %swap3A_391 = vector.shape_cast %mul3A_386 : vector<16xf32> to vector<1x16xf32>
        tpu.vector_store %arg13[%swap3A_387, %swap3A_388], %swap3A_391 {strides = array<i32>} : memref<128x128xf32, #tpu.memory_space<vmem>>, vector<1x16xf32>,
        %swap3A_392 = arith.index_cast %scan3A_305 : i32 to index
        %swap3A_393 = arith.constant 96 : index
        %swap3A_394 = tpu.vector_load %arg14[%swap3A_392, %swap3A_393] {strides = array<i32>} : memref<128x128xf32, #tpu.memory_space<vmem>>, vector<1x16xf32>,
        %swap3A_395 = vector.shape_cast %swap3A_394 : vector<1x16xf32> to vector<16xf32>
        %swap3A_396 = vector.shape_cast %mul3A_386 : vector<16xf32> to vector<1x16xf32>
        tpu.vector_store %arg14[%swap3A_392, %swap3A_393], %swap3A_396 {strides = array<i32>} : memref<128x128xf32, #tpu.memory_space<vmem>>, vector<1x16xf32>,
        %get3A_397 = arith.index_cast %scan3A_305 : i32 to index
        %get3A_398 = arith.constant 48 : index
        %get3A_399 = tpu.vector_load %arg11[%get3A_397, %get3A_398] {strides = array<i32>} : memref<128x128xf32, #tpu.memory_space<vmem>>, vector<1x16xf32>,
        %get3A_400 = vector.shape_cast %get3A_399 : vector<1x16xf32> to vector<16xf32>
        %get3A_401 = arith.index_cast %scan3A_305 : i32 to index
        %get3A_402 = arith.constant 48 : index
        %get3A_403 = tpu.vector_load %arg10[%get3A_401, %get3A_402] {strides = array<i32>} : memref<128x128xf32, #tpu.memory_space<vmem>>, vector<1x16xf32>,
        %get3A_404 = vector.shape_cast %get3A_403 : vector<1x16xf32> to vector<16xf32>
        %sub3A_405 = arith.subf %get3A_400, %get3A_404 : vector<16xf32>
        %get3A_406 = arith.index_cast %scan3A_305 : i32 to index
        %get3A_407 = arith.constant 48 : index
        %get3A_408 = tpu.vector_load %arg12[%get3A_406, %get3A_407] {strides = array<i32>} : memref<128x128xf32, #tpu.memory_space<vmem>>, vector<1x16xf32>,
        %get3A_409 = vector.shape_cast %get3A_408 : vector<1x16xf32> to vector<16xf32>
        %mul3A_410 = arith.mulf %sub3A_405, %get3A_409 : vector<16xf32>
        %mul3A_411 = arith.mulf %mul3A_410, %select_n3A_322 : vector<16xf32>
        %swap3A_412 = arith.index_cast %scan3A_305 : i32 to index
        %swap3A_413 = arith.constant 48 : index
        %swap3A_414 = tpu.vector_load %arg13[%swap3A_412, %swap3A_413] {strides = array<i32>} : memref<128x128xf32, #tpu.memory_space<vmem>>, vector<1x16xf32>,
        %swap3A_415 = vector.shape_cast %swap3A_414 : vector<1x16xf32> to vector<16xf32>
        %swap3A_416 = vector.shape_cast %mul3A_411 : vector<16xf32> to vector<1x16xf32>
        tpu.vector_store %arg13[%swap3A_412, %swap3A_413], %swap3A_416 {strides = array<i32>} : memref<128x128xf32, #tpu.memory_space<vmem>>, vector<1x16xf32>,
        %swap3A_417 = arith.index_cast %scan3A_305 : i32 to index
        %swap3A_418 = arith.constant 112 : index
        %swap3A_419 = tpu.vector_load %arg14[%swap3A_417, %swap3A_418] {strides = array<i32>} : memref<128x128xf32, #tpu.memory_space<vmem>>, vector<1x16xf32>,
        %swap3A_420 = vector.shape_cast %swap3A_419 : vector<1x16xf32> to vector<16xf32>
        %swap3A_421 = vector.shape_cast %mul3A_411 : vector<16xf32> to vector<1x16xf32>
        tpu.vector_store %arg14[%swap3A_417, %swap3A_418], %swap3A_421 {strides = array<i32>} : memref<128x128xf32, #tpu.memory_space<vmem>>, vector<1x16xf32>,
      }
      %scan3A_78 = arith.constant 128 : i32
      %get3A = arith.constant 0 : index
      %get3A_79 = tpu.vector_load %arg9[%get3A] {strides = array<i32>} : memref<128xi32, #tpu.memory_space<vmem>>, vector<16xi32>,
      %get3A_80 = vector.shape_cast %get3A_79 : vector<16xi32> to vector<16xi32>
      %shift_right_logical3A = arith.constant 1 : i32
      %shift_right_logical3A_81 = vector.broadcast %shift_right_logical3A : i32 to vector<16xi32>
      %shift_right_logical3A_82 = arith.shrui %get3A_80, %shift_right_logical3A_81 : vector<16xi32>
      %and3A = arith.constant 1 : i32
      %and3A_83 = vector.broadcast %and3A : i32 to vector<16xi32>
      %and3A_84 = arith.andi %get3A_80, %and3A_83 : vector<16xi32>
      %eq3A_85 = arith.constant 0 : i32
      %eq3A_86 = vector.broadcast %eq3A_85 : i32 to vector<16xi32>
      %eq3A_87 = arith.cmpi eq, %and3A_84, %eq3A_86 : vector<16xi32>
      %jit3A = arith.constant 5120 : i32
      %broadcast_in_dim3A_88 = vector.broadcast %jit3A : i32 to vector<16xi32>
      %select_n3A = arith.select %eq3A_87, %shift_right_logical3A_82, %broadcast_in_dim3A_88 : vector<16xi1>, vector<16xi32>
      %swap3A = arith.constant 0 : index
      %swap3A_89 = tpu.vector_load %arg15[%swap3A] {strides = array<i32>} : memref<128xi32, #tpu.memory_space<vmem>>, vector<16xi32>,
      %swap3A_90 = vector.shape_cast %swap3A_89 : vector<16xi32> to vector<16xi32>
      %swap3A_91 = vector.shape_cast %select_n3A : vector<16xi32> to vector<16xi32>
      tpu.vector_store %arg15[%swap3A], %swap3A_91 {strides = array<i32>} : memref<128xi32, #tpu.memory_space<vmem>>, vector<16xi32>,
      %eq3A_92 = arith.constant 1 : i32
      %eq3A_93 = vector.broadcast %eq3A_92 : i32 to vector<16xi32>
      %eq3A_94 = arith.cmpi eq, %and3A_84, %eq3A_93 : vector<16xi32>
      %jit3A_95 = arith.constant 5120 : i32
      %broadcast_in_dim3A_96 = vector.broadcast %jit3A_95 : i32 to vector<16xi32>
      %select_n3A_97 = arith.select %eq3A_94, %shift_right_logical3A_82, %broadcast_in_dim3A_96 : vector<16xi1>, vector<16xi32>
      %swap3A_98 = arith.constant 0 : index
      %swap3A_99 = tpu.vector_load %arg16[%swap3A_98] {strides = array<i32>} : memref<128xi32, #tpu.memory_space<vmem>>, vector<16xi32>,
      %swap3A_100 = vector.shape_cast %swap3A_99 : vector<16xi32> to vector<16xi32>
      %swap3A_101 = vector.shape_cast %select_n3A_97 : vector<16xi32> to vector<16xi32>
      tpu.vector_store %arg16[%swap3A_98], %swap3A_101 {strides = array<i32>} : memref<128xi32, #tpu.memory_space<vmem>>, vector<16xi32>,
      %get3A_102 = arith.constant 16 : index
      %get3A_103 = tpu.vector_load %arg9[%get3A_102] {strides = array<i32>} : memref<128xi32, #tpu.memory_space<vmem>>, vector<16xi32>,
      %get3A_104 = vector.shape_cast %get3A_103 : vector<16xi32> to vector<16xi32>
      %shift_right_logical3A_105 = arith.constant 1 : i32
      %shift_right_logical3A_106 = vector.broadcast %shift_right_logical3A_105 : i32 to vector<16xi32>
      %shift_right_logical3A_107 = arith.shrui %get3A_104, %shift_right_logical3A_106 : vector<16xi32>
      %and3A_108 = arith.constant 1 : i32
      %and3A_109 = vector.broadcast %and3A_108 : i32 to vector<16xi32>
      %and3A_110 = arith.andi %get3A_104, %and3A_109 : vector<16xi32>
      %eq3A_111 = arith.constant 0 : i32
      %eq3A_112 = vector.broadcast %eq3A_111 : i32 to vector<16xi32>
      %eq3A_113 = arith.cmpi eq, %and3A_110, %eq3A_112 : vector<16xi32>
      %jit3A_114 = arith.constant 5120 : i32
      %broadcast_in_dim3A_115 = vector.broadcast %jit3A_114 : i32 to vector<16xi32>
      %select_n3A_116 = arith.select %eq3A_113, %shift_right_logical3A_107, %broadcast_in_dim3A_115 : vector<16xi1>, vector<16xi32>
      %swap3A_117 = arith.constant 16 : index
      %swap3A_118 = tpu.vector_load %arg15[%swap3A_117] {strides = array<i32>} : memref<128xi32, #tpu.memory_space<vmem>>, vector<16xi32>,
      %swap3A_119 = vector.shape_cast %swap3A_118 : vector<16xi32> to vector<16xi32>
      %swap3A_120 = vector.shape_cast %select_n3A_116 : vector<16xi32> to vector<16xi32>
      tpu.vector_store %arg15[%swap3A_117], %swap3A_120 {strides = array<i32>} : memref<128xi32, #tpu.memory_space<vmem>>, vector<16xi32>,
      %eq3A_121 = arith.constant 1 : i32
      %eq3A_122 = vector.broadcast %eq3A_121 : i32 to vector<16xi32>
      %eq3A_123 = arith.cmpi eq, %and3A_110, %eq3A_122 : vector<16xi32>
      %jit3A_124 = arith.constant 5120 : i32
      %broadcast_in_dim3A_125 = vector.broadcast %jit3A_124 : i32 to vector<16xi32>
      %select_n3A_126 = arith.select %eq3A_123, %shift_right_logical3A_107, %broadcast_in_dim3A_125 : vector<16xi1>, vector<16xi32>
      %swap3A_127 = arith.constant 16 : index
      %swap3A_128 = tpu.vector_load %arg16[%swap3A_127] {strides = array<i32>} : memref<128xi32, #tpu.memory_space<vmem>>, vector<16xi32>,
      %swap3A_129 = vector.shape_cast %swap3A_128 : vector<16xi32> to vector<16xi32>
      %swap3A_130 = vector.shape_cast %select_n3A_126 : vector<16xi32> to vector<16xi32>
      tpu.vector_store %arg16[%swap3A_127], %swap3A_130 {strides = array<i32>} : memref<128xi32, #tpu.memory_space<vmem>>, vector<16xi32>,
      %get3A_131 = arith.constant 32 : index
      %get3A_132 = tpu.vector_load %arg9[%get3A_131] {strides = array<i32>} : memref<128xi32, #tpu.memory_space<vmem>>, vector<16xi32>,
      %get3A_133 = vector.shape_cast %get3A_132 : vector<16xi32> to vector<16xi32>
      %shift_right_logical3A_134 = arith.constant 1 : i32
      %shift_right_logical3A_135 = vector.broadcast %shift_right_logical3A_134 : i32 to vector<16xi32>
      %shift_right_logical3A_136 = arith.shrui %get3A_133, %shift_right_logical3A_135 : vector<16xi32>
      %and3A_137 = arith.constant 1 : i32
      %and3A_138 = vector.broadcast %and3A_137 : i32 to vector<16xi32>
      %and3A_139 = arith.andi %get3A_133, %and3A_138 : vector<16xi32>
      %eq3A_140 = arith.constant 0 : i32
      %eq3A_141 = vector.broadcast %eq3A_140 : i32 to vector<16xi32>
      %eq3A_142 = arith.cmpi eq, %and3A_139, %eq3A_141 : vector<16xi32>
      %jit3A_143 = arith.constant 5120 : i32
      %broadcast_in_dim3A_144 = vector.broadcast %jit3A_143 : i32 to vector<16xi32>
      %select_n3A_145 = arith.select %eq3A_142, %shift_right_logical3A_136, %broadcast_in_dim3A_144 : vector<16xi1>, vector<16xi32>
      %swap3A_146 = arith.constant 32 : index
      %swap3A_147 = tpu.vector_load %arg15[%swap3A_146] {strides = array<i32>} : memref<128xi32, #tpu.memory_space<vmem>>, vector<16xi32>,
      %swap3A_148 = vector.shape_cast %swap3A_147 : vector<16xi32> to vector<16xi32>
      %swap3A_149 = vector.shape_cast %select_n3A_145 : vector<16xi32> to vector<16xi32>
      tpu.vector_store %arg15[%swap3A_146], %swap3A_149 {strides = array<i32>} : memref<128xi32, #tpu.memory_space<vmem>>, vector<16xi32>,
      %eq3A_150 = arith.constant 1 : i32
      %eq3A_151 = vector.broadcast %eq3A_150 : i32 to vector<16xi32>
      %eq3A_152 = arith.cmpi eq, %and3A_139, %eq3A_151 : vector<16xi32>
      %jit3A_153 = arith.constant 5120 : i32
      %broadcast_in_dim3A_154 = vector.broadcast %jit3A_153 : i32 to vector<16xi32>
      %select_n3A_155 = arith.select %eq3A_152, %shift_right_logical3A_136, %broadcast_in_dim3A_154 : vector<16xi1>, vector<16xi32>
      %swap3A_156 = arith.constant 32 : index
      %swap3A_157 = tpu.vector_load %arg16[%swap3A_156] {strides = array<i32>} : memref<128xi32, #tpu.memory_space<vmem>>, vector<16xi32>,
      %swap3A_158 = vector.shape_cast %swap3A_157 : vector<16xi32> to vector<16xi32>
      %swap3A_159 = vector.shape_cast %select_n3A_155 : vector<16xi32> to vector<16xi32>
      tpu.vector_store %arg16[%swap3A_156], %swap3A_159 {strides = array<i32>} : memref<128xi32, #tpu.memory_space<vmem>>, vector<16xi32>,
      %get3A_160 = arith.constant 48 : index
      %get3A_161 = tpu.vector_load %arg9[%get3A_160] {strides = array<i32>} : memref<128xi32, #tpu.memory_space<vmem>>, vector<16xi32>,
      %get3A_162 = vector.shape_cast %get3A_161 : vector<16xi32> to vector<16xi32>
      %shift_right_logical3A_163 = arith.constant 1 : i32
      %shift_right_logical3A_164 = vector.broadcast %shift_right_logical3A_163 : i32 to vector<16xi32>
      %shift_right_logical3A_165 = arith.shrui %get3A_162, %shift_right_logical3A_164 : vector<16xi32>
      %and3A_166 = arith.constant 1 : i32
      %and3A_167 = vector.broadcast %and3A_166 : i32 to vector<16xi32>
      %and3A_168 = arith.andi %get3A_162, %and3A_167 : vector<16xi32>
      %eq3A_169 = arith.constant 0 : i32
      %eq3A_170 = vector.broadcast %eq3A_169 : i32 to vector<16xi32>
      %eq3A_171 = arith.cmpi eq, %and3A_168, %eq3A_170 : vector<16xi32>
      %jit3A_172 = arith.constant 5120 : i32
      %broadcast_in_dim3A_173 = vector.broadcast %jit3A_172 : i32 to vector<16xi32>
      %select_n3A_174 = arith.select %eq3A_171, %shift_right_logical3A_165, %broadcast_in_dim3A_173 : vector<16xi1>, vector<16xi32>
      %swap3A_175 = arith.constant 48 : index
      %swap3A_176 = tpu.vector_load %arg15[%swap3A_175] {strides = array<i32>} : memref<128xi32, #tpu.memory_space<vmem>>, vector<16xi32>,
      %swap3A_177 = vector.shape_cast %swap3A_176 : vector<16xi32> to vector<16xi32>
      %swap3A_178 = vector.shape_cast %select_n3A_174 : vector<16xi32> to vector<16xi32>
      tpu.vector_store %arg15[%swap3A_175], %swap3A_178 {strides = array<i32>} : memref<128xi32, #tpu.memory_space<vmem>>, vector<16xi32>,
      %eq3A_179 = arith.constant 1 : i32
      %eq3A_180 = vector.broadcast %eq3A_179 : i32 to vector<16xi32>
      %eq3A_181 = arith.cmpi eq, %and3A_168, %eq3A_180 : vector<16xi32>
      %jit3A_182 = arith.constant 5120 : i32
      %broadcast_in_dim3A_183 = vector.broadcast %jit3A_182 : i32 to vector<16xi32>
      %select_n3A_184 = arith.select %eq3A_181, %shift_right_logical3A_165, %broadcast_in_dim3A_183 : vector<16xi1>, vector<16xi32>
      %swap3A_185 = arith.constant 48 : index
      %swap3A_186 = tpu.vector_load %arg16[%swap3A_185] {strides = array<i32>} : memref<128xi32, #tpu.memory_space<vmem>>, vector<16xi32>,
      %swap3A_187 = vector.shape_cast %swap3A_186 : vector<16xi32> to vector<16xi32>
      %swap3A_188 = vector.shape_cast %select_n3A_184 : vector<16xi32> to vector<16xi32>
      tpu.vector_store %arg16[%swap3A_185], %swap3A_188 {strides = array<i32>} : memref<128xi32, #tpu.memory_space<vmem>>, vector<16xi32>,
      %get3A_189 = arith.constant 64 : index
      %get3A_190 = tpu.vector_load %arg9[%get3A_189] {strides = array<i32>} : memref<128xi32, #tpu.memory_space<vmem>>, vector<16xi32>,
      %get3A_191 = vector.shape_cast %get3A_190 : vector<16xi32> to vector<16xi32>
      %shift_right_logical3A_192 = arith.constant 1 : i32
      %shift_right_logical3A_193 = vector.broadcast %shift_right_logical3A_192 : i32 to vector<16xi32>
      %shift_right_logical3A_194 = arith.shrui %get3A_191, %shift_right_logical3A_193 : vector<16xi32>
      %and3A_195 = arith.constant 1 : i32
      %and3A_196 = vector.broadcast %and3A_195 : i32 to vector<16xi32>
      %and3A_197 = arith.andi %get3A_191, %and3A_196 : vector<16xi32>
      %eq3A_198 = arith.constant 0 : i32
      %eq3A_199 = vector.broadcast %eq3A_198 : i32 to vector<16xi32>
      %eq3A_200 = arith.cmpi eq, %and3A_197, %eq3A_199 : vector<16xi32>
      %jit3A_201 = arith.constant 5120 : i32
      %broadcast_in_dim3A_202 = vector.broadcast %jit3A_201 : i32 to vector<16xi32>
      %select_n3A_203 = arith.select %eq3A_200, %shift_right_logical3A_194, %broadcast_in_dim3A_202 : vector<16xi1>, vector<16xi32>
      %swap3A_204 = arith.constant 64 : index
      %swap3A_205 = tpu.vector_load %arg15[%swap3A_204] {strides = array<i32>} : memref<128xi32, #tpu.memory_space<vmem>>, vector<16xi32>,
      %swap3A_206 = vector.shape_cast %swap3A_205 : vector<16xi32> to vector<16xi32>
      %swap3A_207 = vector.shape_cast %select_n3A_203 : vector<16xi32> to vector<16xi32>
      tpu.vector_store %arg15[%swap3A_204], %swap3A_207 {strides = array<i32>} : memref<128xi32, #tpu.memory_space<vmem>>, vector<16xi32>,
      %eq3A_208 = arith.constant 1 : i32
      %eq3A_209 = vector.broadcast %eq3A_208 : i32 to vector<16xi32>
      %eq3A_210 = arith.cmpi eq, %and3A_197, %eq3A_209 : vector<16xi32>
      %jit3A_211 = arith.constant 5120 : i32
      %broadcast_in_dim3A_212 = vector.broadcast %jit3A_211 : i32 to vector<16xi32>
      %select_n3A_213 = arith.select %eq3A_210, %shift_right_logical3A_194, %broadcast_in_dim3A_212 : vector<16xi1>, vector<16xi32>
      %swap3A_214 = arith.constant 64 : index
      %swap3A_215 = tpu.vector_load %arg16[%swap3A_214] {strides = array<i32>} : memref<128xi32, #tpu.memory_space<vmem>>, vector<16xi32>,
      %swap3A_216 = vector.shape_cast %swap3A_215 : vector<16xi32> to vector<16xi32>
      %swap3A_217 = vector.shape_cast %select_n3A_213 : vector<16xi32> to vector<16xi32>
      tpu.vector_store %arg16[%swap3A_214], %swap3A_217 {strides = array<i32>} : memref<128xi32, #tpu.memory_space<vmem>>, vector<16xi32>,
      %get3A_218 = arith.constant 80 : index
      %get3A_219 = tpu.vector_load %arg9[%get3A_218] {strides = array<i32>} : memref<128xi32, #tpu.memory_space<vmem>>, vector<16xi32>,
      %get3A_220 = vector.shape_cast %get3A_219 : vector<16xi32> to vector<16xi32>
      %shift_right_logical3A_221 = arith.constant 1 : i32
      %shift_right_logical3A_222 = vector.broadcast %shift_right_logical3A_221 : i32 to vector<16xi32>
      %shift_right_logical3A_223 = arith.shrui %get3A_220, %shift_right_logical3A_222 : vector<16xi32>
      %and3A_224 = arith.constant 1 : i32
      %and3A_225 = vector.broadcast %and3A_224 : i32 to vector<16xi32>
      %and3A_226 = arith.andi %get3A_220, %and3A_225 : vector<16xi32>
      %eq3A_227 = arith.constant 0 : i32
      %eq3A_228 = vector.broadcast %eq3A_227 : i32 to vector<16xi32>
      %eq3A_229 = arith.cmpi eq, %and3A_226, %eq3A_228 : vector<16xi32>
      %jit3A_230 = arith.constant 5120 : i32
      %broadcast_in_dim3A_231 = vector.broadcast %jit3A_230 : i32 to vector<16xi32>
      %select_n3A_232 = arith.select %eq3A_229, %shift_right_logical3A_223, %broadcast_in_dim3A_231 : vector<16xi1>, vector<16xi32>
      %swap3A_233 = arith.constant 80 : index
      %swap3A_234 = tpu.vector_load %arg15[%swap3A_233] {strides = array<i32>} : memref<128xi32, #tpu.memory_space<vmem>>, vector<16xi32>,
      %swap3A_235 = vector.shape_cast %swap3A_234 : vector<16xi32> to vector<16xi32>
      %swap3A_236 = vector.shape_cast %select_n3A_232 : vector<16xi32> to vector<16xi32>
      tpu.vector_store %arg15[%swap3A_233], %swap3A_236 {strides = array<i32>} : memref<128xi32, #tpu.memory_space<vmem>>, vector<16xi32>,
      %eq3A_237 = arith.constant 1 : i32
      %eq3A_238 = vector.broadcast %eq3A_237 : i32 to vector<16xi32>
      %eq3A_239 = arith.cmpi eq, %and3A_226, %eq3A_238 : vector<16xi32>
      %jit3A_240 = arith.constant 5120 : i32
      %broadcast_in_dim3A_241 = vector.broadcast %jit3A_240 : i32 to vector<16xi32>
      %select_n3A_242 = arith.select %eq3A_239, %shift_right_logical3A_223, %broadcast_in_dim3A_241 : vector<16xi1>, vector<16xi32>
      %swap3A_243 = arith.constant 80 : index
      %swap3A_244 = tpu.vector_load %arg16[%swap3A_243] {strides = array<i32>} : memref<128xi32, #tpu.memory_space<vmem>>, vector<16xi32>,
      %swap3A_245 = vector.shape_cast %swap3A_244 : vector<16xi32> to vector<16xi32>
      %swap3A_246 = vector.shape_cast %select_n3A_242 : vector<16xi32> to vector<16xi32>
      tpu.vector_store %arg16[%swap3A_243], %swap3A_246 {strides = array<i32>} : memref<128xi32, #tpu.memory_space<vmem>>, vector<16xi32>,
      %get3A_247 = arith.constant 96 : index
      %get3A_248 = tpu.vector_load %arg9[%get3A_247] {strides = array<i32>} : memref<128xi32, #tpu.memory_space<vmem>>, vector<16xi32>,
      %get3A_249 = vector.shape_cast %get3A_248 : vector<16xi32> to vector<16xi32>
      %shift_right_logical3A_250 = arith.constant 1 : i32
      %shift_right_logical3A_251 = vector.broadcast %shift_right_logical3A_250 : i32 to vector<16xi32>
      %shift_right_logical3A_252 = arith.shrui %get3A_249, %shift_right_logical3A_251 : vector<16xi32>
      %and3A_253 = arith.constant 1 : i32
      %and3A_254 = vector.broadcast %and3A_253 : i32 to vector<16xi32>
      %and3A_255 = arith.andi %get3A_249, %and3A_254 : vector<16xi32>
      %eq3A_256 = arith.constant 0 : i32
      %eq3A_257 = vector.broadcast %eq3A_256 : i32 to vector<16xi32>
      %eq3A_258 = arith.cmpi eq, %and3A_255, %eq3A_257 : vector<16xi32>
      %jit3A_259 = arith.constant 5120 : i32
      %broadcast_in_dim3A_260 = vector.broadcast %jit3A_259 : i32 to vector<16xi32>
      %select_n3A_261 = arith.select %eq3A_258, %shift_right_logical3A_252, %broadcast_in_dim3A_260 : vector<16xi1>, vector<16xi32>
      %swap3A_262 = arith.constant 96 : index
      %swap3A_263 = tpu.vector_load %arg15[%swap3A_262] {strides = array<i32>} : memref<128xi32, #tpu.memory_space<vmem>>, vector<16xi32>,
      %swap3A_264 = vector.shape_cast %swap3A_263 : vector<16xi32> to vector<16xi32>
      %swap3A_265 = vector.shape_cast %select_n3A_261 : vector<16xi32> to vector<16xi32>
      tpu.vector_store %arg15[%swap3A_262], %swap3A_265 {strides = array<i32>} : memref<128xi32, #tpu.memory_space<vmem>>, vector<16xi32>,
      %eq3A_266 = arith.constant 1 : i32
      %eq3A_267 = vector.broadcast %eq3A_266 : i32 to vector<16xi32>
      %eq3A_268 = arith.cmpi eq, %and3A_255, %eq3A_267 : vector<16xi32>
      %jit3A_269 = arith.constant 5120 : i32
      %broadcast_in_dim3A_270 = vector.broadcast %jit3A_269 : i32 to vector<16xi32>
      %select_n3A_271 = arith.select %eq3A_268, %shift_right_logical3A_252, %broadcast_in_dim3A_270 : vector<16xi1>, vector<16xi32>
      %swap3A_272 = arith.constant 96 : index
      %swap3A_273 = tpu.vector_load %arg16[%swap3A_272] {strides = array<i32>} : memref<128xi32, #tpu.memory_space<vmem>>, vector<16xi32>,
      %swap3A_274 = vector.shape_cast %swap3A_273 : vector<16xi32> to vector<16xi32>
      %swap3A_275 = vector.shape_cast %select_n3A_271 : vector<16xi32> to vector<16xi32>
      tpu.vector_store %arg16[%swap3A_272], %swap3A_275 {strides = array<i32>} : memref<128xi32, #tpu.memory_space<vmem>>, vector<16xi32>,
      %get3A_276 = arith.constant 112 : index
      %get3A_277 = tpu.vector_load %arg9[%get3A_276] {strides = array<i32>} : memref<128xi32, #tpu.memory_space<vmem>>, vector<16xi32>,
      %get3A_278 = vector.shape_cast %get3A_277 : vector<16xi32> to vector<16xi32>
      %shift_right_logical3A_279 = arith.constant 1 : i32
      %shift_right_logical3A_280 = vector.broadcast %shift_right_logical3A_279 : i32 to vector<16xi32>
      %shift_right_logical3A_281 = arith.shrui %get3A_278, %shift_right_logical3A_280 : vector<16xi32>
      %and3A_282 = arith.constant 1 : i32
      %and3A_283 = vector.broadcast %and3A_282 : i32 to vector<16xi32>
      %and3A_284 = arith.andi %get3A_278, %and3A_283 : vector<16xi32>
      %eq3A_285 = arith.constant 0 : i32
      %eq3A_286 = vector.broadcast %eq3A_285 : i32 to vector<16xi32>
      %eq3A_287 = arith.cmpi eq, %and3A_284, %eq3A_286 : vector<16xi32>
      %jit3A_288 = arith.constant 5120 : i32
      %broadcast_in_dim3A_289 = vector.broadcast %jit3A_288 : i32 to vector<16xi32>
      %select_n3A_290 = arith.select %eq3A_287, %shift_right_logical3A_281, %broadcast_in_dim3A_289 : vector<16xi1>, vector<16xi32>
      %swap3A_291 = arith.constant 112 : index
      %swap3A_292 = tpu.vector_load %arg15[%swap3A_291] {strides = array<i32>} : memref<128xi32, #tpu.memory_space<vmem>>, vector<16xi32>,
      %swap3A_293 = vector.shape_cast %swap3A_292 : vector<16xi32> to vector<16xi32>
      %swap3A_294 = vector.shape_cast %select_n3A_290 : vector<16xi32> to vector<16xi32>
      tpu.vector_store %arg15[%swap3A_291], %swap3A_294 {strides = array<i32>} : memref<128xi32, #tpu.memory_space<vmem>>, vector<16xi32>,
      %eq3A_295 = arith.constant 1 : i32
      %eq3A_296 = vector.broadcast %eq3A_295 : i32 to vector<16xi32>
      %eq3A_297 = arith.cmpi eq, %and3A_284, %eq3A_296 : vector<16xi32>
      %jit3A_298 = arith.constant 5120 : i32
      %broadcast_in_dim3A_299 = vector.broadcast %jit3A_298 : i32 to vector<16xi32>
      %select_n3A_300 = arith.select %eq3A_297, %shift_right_logical3A_281, %broadcast_in_dim3A_299 : vector<16xi1>, vector<16xi32>
      %swap3A_301 = arith.constant 112 : index
      %swap3A_302 = tpu.vector_load %arg16[%swap3A_301] {strides = array<i32>} : memref<128xi32, #tpu.memory_space<vmem>>, vector<16xi32>,
      %swap3A_303 = vector.shape_cast %swap3A_302 : vector<16xi32> to vector<16xi32>
      %swap3A_304 = vector.shape_cast %select_n3A_300 : vector<16xi32> to vector<16xi32>
      tpu.vector_store %arg16[%swap3A_301], %swap3A_304 {strides = array<i32>} : memref<128xi32, #tpu.memory_space<vmem>>, vector<16xi32>,
      "tpu.region"() ({
        %run_scoped3A = tpu.sem_alloc : memref<!tpu.dma_semaphore, #tpu.memory_space<semaphore_mem>>
        %dma_start3A_305 = arith.constant 0 : i32
        %dma_start3A_306 = arith.constant 0 : i32
        %dma_start3A_307 = tpu.memref_slice %arg17[%dma_start3A_305, %dma_start3A_306] : memref<5128x128xf32, #tpu.memory_space<vmem_shared>> -> memref<5128x128xf32, #tpu.memory_space<vmem_shared>>
        tpu.enqueue_indirect_dma source(%arg13 : memref<128x128xf32, #tpu.memory_space<vmem>>) target(%dma_start3A_307 : memref<5128x128xf32, #tpu.memory_space<vmem_shared>>) offsets(%arg15 : memref<128xi32, #tpu.memory_space<vmem>>) semaphore(%run_scoped3A : memref<!tpu.dma_semaphore, #tpu.memory_space<semaphore_mem>>) {add = true}
        %dma_wait3A_308 = arith.constant 0 : i32
        %dma_wait3A_309 = arith.constant 0 : i32
        %dma_wait3A_310 = tpu.memref_slice %arg17[%dma_wait3A_308, %dma_wait3A_309] : memref<5128x128xf32, #tpu.memory_space<vmem_shared>> -> memref<5128x128xf32, #tpu.memory_space<vmem_shared>>
        tpu.wait_indirect_dma semaphore(%run_scoped3A : memref<!tpu.dma_semaphore, #tpu.memory_space<semaphore_mem>>) src(%arg13 : memref<128x128xf32, #tpu.memory_space<vmem>>) dst(%dma_wait3A_310 : memref<5128x128xf32, #tpu.memory_space<vmem_shared>>)
        tpu.yield
      }) : () -> ()
      "tpu.region"() ({
        %run_scoped3A = tpu.sem_alloc : memref<!tpu.dma_semaphore, #tpu.memory_space<semaphore_mem>>
        %dma_start3A_305 = arith.constant 0 : i32
        %dma_start3A_306 = arith.constant 0 : i32
        %dma_start3A_307 = tpu.memref_slice %arg17[%dma_start3A_305, %dma_start3A_306] : memref<5128x128xf32, #tpu.memory_space<vmem_shared>> -> memref<5128x128xf32, #tpu.memory_space<vmem_shared>>
        tpu.enqueue_indirect_dma source(%arg14 : memref<128x128xf32, #tpu.memory_space<vmem>>) target(%dma_start3A_307 : memref<5128x128xf32, #tpu.memory_space<vmem_shared>>) offsets(%arg16 : memref<128xi32, #tpu.memory_space<vmem>>) semaphore(%run_scoped3A : memref<!tpu.dma_semaphore, #tpu.memory_space<semaphore_mem>>) {add = true}
        %dma_wait3A_308 = arith.constant 0 : i32
        %dma_wait3A_309 = arith.constant 0 : i32
        %dma_wait3A_310 = tpu.memref_slice %arg17[%dma_wait3A_308, %dma_wait3A_309] : memref<5128x128xf32, #tpu.memory_space<vmem_shared>> -> memref<5128x128xf32, #tpu.memory_space<vmem_shared>>
        tpu.wait_indirect_dma semaphore(%run_scoped3A : memref<!tpu.dma_semaphore, #tpu.memory_space<semaphore_mem>>) src(%arg14 : memref<128x128xf32, #tpu.memory_space<vmem>>) dst(%dma_wait3A_310 : memref<5128x128xf32, #tpu.memory_space<vmem_shared>>)
        tpu.yield
      }) : () -> ()
    }
    %scan3A_28 = arith.constant 80 : i32
    %barrier3A_29 = arith.constant 0 : index
    tpu.barrier barrier_id(%barrier3A_29)
    %mul3A_30 = arith.constant 320 : i32
    %mul3A_31 = arith.muli %arg1, %mul3A_30 : i32
    %add3A_32 = arith.constant 0 : i32
    %add3A_33 = arith.addi %mul3A_31, %add3A_32 : i32
    "tpu.region"() ({
      %run_scoped3A = tpu.sem_alloc : memref<!tpu.dma_semaphore, #tpu.memory_space<semaphore_mem>>
      %dma_start3A = tpu.memref_slice %arg6[%add3A_33] : memref<10240xi32, #tpu.memory_space<hbm>> -> memref<128xi32, #tpu.memory_space<hbm>>
      %dma_start3A_51 = tpu.memref_slice %arg6[%add3A_33] : memref<10240xi32, #tpu.memory_space<hbm>> -> memref<128xi32, #tpu.memory_space<hbm>>
      tpu.enqueue_dma source(%dma_start3A_51 : memref<128xi32, #tpu.memory_space<hbm>>) target(%arg8 : memref<128xi32, #tpu.memory_space<vmem>>) target_semaphore(%run_scoped3A : memref<!tpu.dma_semaphore, #tpu.memory_space<semaphore_mem>>)
      %dma_wait3A = tpu.memref_slice %arg6[%add3A_33] : memref<10240xi32, #tpu.memory_space<hbm>> -> memref<128xi32, #tpu.memory_space<hbm>>
      %dma_wait3A_52 = tpu.memref_slice %arg6[%add3A_33] : memref<10240xi32, #tpu.memory_space<hbm>> -> memref<128xi32, #tpu.memory_space<hbm>>
      tpu.wait_dma2 semaphore(%run_scoped3A : memref<!tpu.dma_semaphore, #tpu.memory_space<semaphore_mem>>) src(%dma_wait3A_52 : memref<128xi32, #tpu.memory_space<hbm>>) dst(%arg8 : memref<128xi32, #tpu.memory_space<vmem>>)
      tpu.yield
    }) : () -> ()
    "tpu.region"() ({
      %run_scoped3A = tpu.sem_alloc : memref<!tpu.dma_semaphore, #tpu.memory_space<semaphore_mem>>
      %dma_start3A = arith.constant 0 : i32
      %dma_start3A_51 = arith.constant 0 : i32
      %dma_start3A_52 = tpu.memref_slice %arg17[%dma_start3A, %dma_start3A_51] : memref<5128x128xf32, #tpu.memory_space<vmem_shared>> -> memref<5128x128xf32, #tpu.memory_space<vmem_shared>>
      tpu.enqueue_indirect_dma source(%dma_start3A_52 : memref<5128x128xf32, #tpu.memory_space<vmem_shared>>) target(%arg11 : memref<128x128xf32, #tpu.memory_space<vmem>>) offsets(%arg8 : memref<128xi32, #tpu.memory_space<vmem>>) semaphore(%run_scoped3A : memref<!tpu.dma_semaphore, #tpu.memory_space<semaphore_mem>>)
      %dma_wait3A = arith.constant 0 : i32
      %dma_wait3A_53 = arith.constant 0 : i32
      %dma_wait3A_54 = tpu.memref_slice %arg17[%dma_wait3A, %dma_wait3A_53] : memref<5128x128xf32, #tpu.memory_space<vmem_shared>> -> memref<5128x128xf32, #tpu.memory_space<vmem_shared>>
      tpu.wait_indirect_dma semaphore(%run_scoped3A : memref<!tpu.dma_semaphore, #tpu.memory_space<semaphore_mem>>) src(%dma_wait3A_54 : memref<5128x128xf32, #tpu.memory_space<vmem_shared>>) dst(%arg11 : memref<128x128xf32, #tpu.memory_space<vmem>>)
      tpu.yield
    }) : () -> ()
    %mul3A_34 = arith.constant 5120 : i32
    %mul3A_35 = arith.muli %arg0, %mul3A_34 : i32
    %add3A_36 = arith.addi %mul3A_35, %add3A_33 : i32
    "tpu.region"() ({
      %run_scoped3A = tpu.sem_alloc : memref<!tpu.dma_semaphore, #tpu.memory_space<semaphore_mem>>
      %dma_start3A = arith.constant 0 : i32
      %dma_start3A_51 = tpu.memref_slice %arg7[%add3A_36, %dma_start3A] : memref<10240x128xf32, #tpu.memory_space<hbm>> -> memref<128x128xf32, #tpu.memory_space<hbm>>
      %dma_start3A_52 = arith.constant 0 : i32
      %dma_start3A_53 = tpu.memref_slice %arg7[%add3A_36, %dma_start3A_52] : memref<10240x128xf32, #tpu.memory_space<hbm>> -> memref<128x128xf32, #tpu.memory_space<hbm>>
      tpu.enqueue_dma source(%arg11 : memref<128x128xf32, #tpu.memory_space<vmem>>) target(%dma_start3A_53 : memref<128x128xf32, #tpu.memory_space<hbm>>) target_semaphore(%run_scoped3A : memref<!tpu.dma_semaphore, #tpu.memory_space<semaphore_mem>>)
      %dma_wait3A = arith.constant 0 : i32
      %dma_wait3A_54 = tpu.memref_slice %arg7[%add3A_36, %dma_wait3A] : memref<10240x128xf32, #tpu.memory_space<hbm>> -> memref<128x128xf32, #tpu.memory_space<hbm>>
      %dma_wait3A_55 = arith.constant 0 : i32
      %dma_wait3A_56 = tpu.memref_slice %arg7[%add3A_36, %dma_wait3A_55] : memref<10240x128xf32, #tpu.memory_space<hbm>> -> memref<128x128xf32, #tpu.memory_space<hbm>>
      tpu.wait_dma2 semaphore(%run_scoped3A : memref<!tpu.dma_semaphore, #tpu.memory_space<semaphore_mem>>) src(%arg11 : memref<128x128xf32, #tpu.memory_space<vmem>>) dst(%dma_wait3A_56 : memref<128x128xf32, #tpu.memory_space<hbm>>)
      tpu.yield
    }) : () -> ()
    %mul3A_37 = arith.constant 320 : i32
    %mul3A_38 = arith.muli %arg1, %mul3A_37 : i32
    %add3A_39 = arith.constant 128 : i32
    %add3A_40 = arith.addi %mul3A_38, %add3A_39 : i32
    "tpu.region"() ({
      %run_scoped3A = tpu.sem_alloc : memref<!tpu.dma_semaphore, #tpu.memory_space<semaphore_mem>>
      %dma_start3A = tpu.memref_slice %arg6[%add3A_40] : memref<10240xi32, #tpu.memory_space<hbm>> -> memref<128xi32, #tpu.memory_space<hbm>>
      %dma_start3A_51 = tpu.memref_slice %arg6[%add3A_40] : memref<10240xi32, #tpu.memory_space<hbm>> -> memref<128xi32, #tpu.memory_space<hbm>>
      tpu.enqueue_dma source(%dma_start3A_51 : memref<128xi32, #tpu.memory_space<hbm>>) target(%arg8 : memref<128xi32, #tpu.memory_space<vmem>>) target_semaphore(%run_scoped3A : memref<!tpu.dma_semaphore, #tpu.memory_space<semaphore_mem>>)
      %dma_wait3A = tpu.memref_slice %arg6[%add3A_40] : memref<10240xi32, #tpu.memory_space<hbm>> -> memref<128xi32, #tpu.memory_space<hbm>>
      %dma_wait3A_52 = tpu.memref_slice %arg6[%add3A_40] : memref<10240xi32, #tpu.memory_space<hbm>> -> memref<128xi32, #tpu.memory_space<hbm>>
      tpu.wait_dma2 semaphore(%run_scoped3A : memref<!tpu.dma_semaphore, #tpu.memory_space<semaphore_mem>>) src(%dma_wait3A_52 : memref<128xi32, #tpu.memory_space<hbm>>) dst(%arg8 : memref<128xi32, #tpu.memory_space<vmem>>)
      tpu.yield
    }) : () -> ()
    "tpu.region"() ({
      %run_scoped3A = tpu.sem_alloc : memref<!tpu.dma_semaphore, #tpu.memory_space<semaphore_mem>>
      %dma_start3A = arith.constant 0 : i32
      %dma_start3A_51 = arith.constant 0 : i32
      %dma_start3A_52 = tpu.memref_slice %arg17[%dma_start3A, %dma_start3A_51] : memref<5128x128xf32, #tpu.memory_space<vmem_shared>> -> memref<5128x128xf32, #tpu.memory_space<vmem_shared>>
      tpu.enqueue_indirect_dma source(%dma_start3A_52 : memref<5128x128xf32, #tpu.memory_space<vmem_shared>>) target(%arg11 : memref<128x128xf32, #tpu.memory_space<vmem>>) offsets(%arg8 : memref<128xi32, #tpu.memory_space<vmem>>) semaphore(%run_scoped3A : memref<!tpu.dma_semaphore, #tpu.memory_space<semaphore_mem>>)
      %dma_wait3A = arith.constant 0 : i32
      %dma_wait3A_53 = arith.constant 0 : i32
      %dma_wait3A_54 = tpu.memref_slice %arg17[%dma_wait3A, %dma_wait3A_53] : memref<5128x128xf32, #tpu.memory_space<vmem_shared>> -> memref<5128x128xf32, #tpu.memory_space<vmem_shared>>
      tpu.wait_indirect_dma semaphore(%run_scoped3A : memref<!tpu.dma_semaphore, #tpu.memory_space<semaphore_mem>>) src(%dma_wait3A_54 : memref<5128x128xf32, #tpu.memory_space<vmem_shared>>) dst(%arg11 : memref<128x128xf32, #tpu.memory_space<vmem>>)
      tpu.yield
    }) : () -> ()
    %mul3A_41 = arith.constant 5120 : i32
    %mul3A_42 = arith.muli %arg0, %mul3A_41 : i32
    %add3A_43 = arith.addi %mul3A_42, %add3A_40 : i32
    "tpu.region"() ({
      %run_scoped3A = tpu.sem_alloc : memref<!tpu.dma_semaphore, #tpu.memory_space<semaphore_mem>>
      %dma_start3A = arith.constant 0 : i32
      %dma_start3A_51 = tpu.memref_slice %arg7[%add3A_43, %dma_start3A] : memref<10240x128xf32, #tpu.memory_space<hbm>> -> memref<128x128xf32, #tpu.memory_space<hbm>>
      %dma_start3A_52 = arith.constant 0 : i32
      %dma_start3A_53 = tpu.memref_slice %arg7[%add3A_43, %dma_start3A_52] : memref<10240x128xf32, #tpu.memory_space<hbm>> -> memref<128x128xf32, #tpu.memory_space<hbm>>
      tpu.enqueue_dma source(%arg11 : memref<128x128xf32, #tpu.memory_space<vmem>>) target(%dma_start3A_53 : memref<128x128xf32, #tpu.memory_space<hbm>>) target_semaphore(%run_scoped3A : memref<!tpu.dma_semaphore, #tpu.memory_space<semaphore_mem>>)
      %dma_wait3A = arith.constant 0 : i32
      %dma_wait3A_54 = tpu.memref_slice %arg7[%add3A_43, %dma_wait3A] : memref<10240x128xf32, #tpu.memory_space<hbm>> -> memref<128x128xf32, #tpu.memory_space<hbm>>
      %dma_wait3A_55 = arith.constant 0 : i32
      %dma_wait3A_56 = tpu.memref_slice %arg7[%add3A_43, %dma_wait3A_55] : memref<10240x128xf32, #tpu.memory_space<hbm>> -> memref<128x128xf32, #tpu.memory_space<hbm>>
      tpu.wait_dma2 semaphore(%run_scoped3A : memref<!tpu.dma_semaphore, #tpu.memory_space<semaphore_mem>>) src(%arg11 : memref<128x128xf32, #tpu.memory_space<vmem>>) dst(%dma_wait3A_56 : memref<128x128xf32, #tpu.memory_space<hbm>>)
      tpu.yield
    }) : () -> ()
    %mul3A_44 = arith.constant 320 : i32
    %mul3A_45 = arith.muli %arg1, %mul3A_44 : i32
    %add3A_46 = arith.constant 192 : i32
    %add3A_47 = arith.addi %mul3A_45, %add3A_46 : i32
    "tpu.region"() ({
      %run_scoped3A = tpu.sem_alloc : memref<!tpu.dma_semaphore, #tpu.memory_space<semaphore_mem>>
      %dma_start3A = tpu.memref_slice %arg6[%add3A_47] : memref<10240xi32, #tpu.memory_space<hbm>> -> memref<128xi32, #tpu.memory_space<hbm>>
      %dma_start3A_51 = tpu.memref_slice %arg6[%add3A_47] : memref<10240xi32, #tpu.memory_space<hbm>> -> memref<128xi32, #tpu.memory_space<hbm>>
      tpu.enqueue_dma source(%dma_start3A_51 : memref<128xi32, #tpu.memory_space<hbm>>) target(%arg8 : memref<128xi32, #tpu.memory_space<vmem>>) target_semaphore(%run_scoped3A : memref<!tpu.dma_semaphore, #tpu.memory_space<semaphore_mem>>)
      %dma_wait3A = tpu.memref_slice %arg6[%add3A_47] : memref<10240xi32, #tpu.memory_space<hbm>> -> memref<128xi32, #tpu.memory_space<hbm>>
      %dma_wait3A_52 = tpu.memref_slice %arg6[%add3A_47] : memref<10240xi32, #tpu.memory_space<hbm>> -> memref<128xi32, #tpu.memory_space<hbm>>
      tpu.wait_dma2 semaphore(%run_scoped3A : memref<!tpu.dma_semaphore, #tpu.memory_space<semaphore_mem>>) src(%dma_wait3A_52 : memref<128xi32, #tpu.memory_space<hbm>>) dst(%arg8 : memref<128xi32, #tpu.memory_space<vmem>>)
      tpu.yield
    }) : () -> ()
    "tpu.region"() ({
      %run_scoped3A = tpu.sem_alloc : memref<!tpu.dma_semaphore, #tpu.memory_space<semaphore_mem>>
      %dma_start3A = arith.constant 0 : i32
      %dma_start3A_51 = arith.constant 0 : i32
      %dma_start3A_52 = tpu.memref_slice %arg17[%dma_start3A, %dma_start3A_51] : memref<5128x128xf32, #tpu.memory_space<vmem_shared>> -> memref<5128x128xf32, #tpu.memory_space<vmem_shared>>
      tpu.enqueue_indirect_dma source(%dma_start3A_52 : memref<5128x128xf32, #tpu.memory_space<vmem_shared>>) target(%arg11 : memref<128x128xf32, #tpu.memory_space<vmem>>) offsets(%arg8 : memref<128xi32, #tpu.memory_space<vmem>>) semaphore(%run_scoped3A : memref<!tpu.dma_semaphore, #tpu.memory_space<semaphore_mem>>)
      %dma_wait3A = arith.constant 0 : i32
      %dma_wait3A_53 = arith.constant 0 : i32
      %dma_wait3A_54 = tpu.memref_slice %arg17[%dma_wait3A, %dma_wait3A_53] : memref<5128x128xf32, #tpu.memory_space<vmem_shared>> -> memref<5128x128xf32, #tpu.memory_space<vmem_shared>>
      tpu.wait_indirect_dma semaphore(%run_scoped3A : memref<!tpu.dma_semaphore, #tpu.memory_space<semaphore_mem>>) src(%dma_wait3A_54 : memref<5128x128xf32, #tpu.memory_space<vmem_shared>>) dst(%arg11 : memref<128x128xf32, #tpu.memory_space<vmem>>)
      tpu.yield
    }) : () -> ()
    %mul3A_48 = arith.constant 5120 : i32
    %mul3A_49 = arith.muli %arg0, %mul3A_48 : i32
    %add3A_50 = arith.addi %mul3A_49, %add3A_47 : i32
    "tpu.region"() ({
      %run_scoped3A = tpu.sem_alloc : memref<!tpu.dma_semaphore, #tpu.memory_space<semaphore_mem>>
      %dma_start3A = arith.constant 0 : i32
      %dma_start3A_51 = tpu.memref_slice %arg7[%add3A_50, %dma_start3A] : memref<10240x128xf32, #tpu.memory_space<hbm>> -> memref<128x128xf32, #tpu.memory_space<hbm>>
      %dma_start3A_52 = arith.constant 0 : i32
      %dma_start3A_53 = tpu.memref_slice %arg7[%add3A_50, %dma_start3A_52] : memref<10240x128xf32, #tpu.memory_space<hbm>> -> memref<128x128xf32, #tpu.memory_space<hbm>>
      tpu.enqueue_dma source(%arg11 : memref<128x128xf32, #tpu.memory_space<vmem>>) target(%dma_start3A_53 : memref<128x128xf32, #tpu.memory_space<hbm>>) target_semaphore(%run_scoped3A : memref<!tpu.dma_semaphore, #tpu.memory_space<semaphore_mem>>)
      %dma_wait3A = arith.constant 0 : i32
      %dma_wait3A_54 = tpu.memref_slice %arg7[%add3A_50, %dma_wait3A] : memref<10240x128xf32, #tpu.memory_space<hbm>> -> memref<128x128xf32, #tpu.memory_space<hbm>>
      %dma_wait3A_55 = arith.constant 0 : i32
      %dma_wait3A_56 = tpu.memref_slice %arg7[%add3A_50, %dma_wait3A_55] : memref<10240x128xf32, #tpu.memory_space<hbm>> -> memref<128x128xf32, #tpu.memory_space<hbm>>
      tpu.wait_dma2 semaphore(%run_scoped3A : memref<!tpu.dma_semaphore, #tpu.memory_space<semaphore_mem>>) src(%arg11 : memref<128x128xf32, #tpu.memory_space<vmem>>) dst(%dma_wait3A_56 : memref<128x128xf32, #tpu.memory_space<hbm>>)
      tpu.yield
    }) : () -> ()
    return
  }
}

#map = affine_map<(d0, d1) -> (0, 0)>
#map1 = affine_map<(d0, d1) -> (0)>
module attributes {stable_mosaic.version = 14 : i64} {
  func.func @_sc_gather_add(%arg0: i32, %arg1: i32, %arg2: memref<10000x128xf32, #tpu.memory_space<hbm>>, %arg3: memref<10000x128xf32, #tpu.memory_space<hbm>>, %arg4: memref<327680xi32, #tpu.memory_space<hbm>>, %arg5: memref<327680xi32, #tpu.memory_space<hbm>>, %arg6: memref<327680x128xf32, #tpu.memory_space<hbm>>, %arg7: memref<128xi32, #tpu.memory_space<vmem>>, %arg8: memref<128xi32, #tpu.memory_space<vmem>>, %arg9: memref<128xi32, #tpu.memory_space<vmem>>, %arg10: memref<128xi32, #tpu.memory_space<vmem>>, %arg11: memref<128x128xf32, #tpu.memory_space<vmem>>, %arg12: memref<128x128xf32, #tpu.memory_space<vmem>>, %arg13: memref<128x128xf32, #tpu.memory_space<vmem>>, %arg14: memref<128x128xf32, #tpu.memory_space<vmem>>, %arg15: memref<!tpu.dma_semaphore, #tpu.memory_space<semaphore_mem>>, %arg16: memref<!tpu.dma_semaphore, #tpu.memory_space<semaphore_mem>>, %arg17: memref<!tpu.dma_semaphore, #tpu.memory_space<semaphore_mem>>, %arg18: memref<!tpu.dma_semaphore, #tpu.memory_space<semaphore_mem>>) attributes {dimension_semantics = [#tpu.dimension_semantics<core_parallel>, #tpu.dimension_semantics<subcore_parallel>], iteration_bounds = array<i64: 2, 16>, scalar_prefetch = 0 : i64, scratch_operands = 12 : i64, tpu.core_type = #tpu.core_type<sc_vector_subcore>, window_params = [{transform_indices = #map}, {transform_indices = #map}, {transform_indices = #map1}, {transform_indices = #map1}, {transform_indices = #map}]} {
    %mul3A = arith.constant 2 : i32
    %mul3A_0 = arith.muli %arg1, %mul3A : i32
    %add3A = arith.addi %mul3A_0, %arg0 : i32
    %mul3A_1 = arith.constant 10240 : i32
    %mul3A_2 = arith.muli %add3A, %mul3A_1 : i32
    %add3A_3 = arith.constant 0 : i32
    %add3A_4 = arith.addi %mul3A_2, %add3A_3 : i32
    "tpu.region"() ({
      %run_scoped3A = tpu.sem_alloc : memref<!tpu.dma_semaphore, #tpu.memory_space<semaphore_mem>>
      %dma_start3A_15 = tpu.memref_slice %arg4[%add3A_4] : memref<327680xi32, #tpu.memory_space<hbm>> -> memref<128xi32, #tpu.memory_space<hbm>>
      %dma_start3A_16 = tpu.memref_slice %arg4[%add3A_4] : memref<327680xi32, #tpu.memory_space<hbm>> -> memref<128xi32, #tpu.memory_space<hbm>>
      tpu.enqueue_dma source(%dma_start3A_16 : memref<128xi32, #tpu.memory_space<hbm>>) target(%arg7 : memref<128xi32, #tpu.memory_space<vmem>>) target_semaphore(%run_scoped3A : memref<!tpu.dma_semaphore, #tpu.memory_space<semaphore_mem>>)
      %dma_wait3A = tpu.memref_slice %arg4[%add3A_4] : memref<327680xi32, #tpu.memory_space<hbm>> -> memref<128xi32, #tpu.memory_space<hbm>>
      %dma_wait3A_17 = tpu.memref_slice %arg4[%add3A_4] : memref<327680xi32, #tpu.memory_space<hbm>> -> memref<128xi32, #tpu.memory_space<hbm>>
      tpu.wait_dma2 semaphore(%run_scoped3A : memref<!tpu.dma_semaphore, #tpu.memory_space<semaphore_mem>>) src(%dma_wait3A_17 : memref<128xi32, #tpu.memory_space<hbm>>) dst(%arg7 : memref<128xi32, #tpu.memory_space<vmem>>)
      tpu.yield
    }) : () -> ()
    "tpu.region"() ({
      %run_scoped3A = tpu.sem_alloc : memref<!tpu.dma_semaphore, #tpu.memory_space<semaphore_mem>>
      %dma_start3A_15 = tpu.memref_slice %arg5[%add3A_4] : memref<327680xi32, #tpu.memory_space<hbm>> -> memref<128xi32, #tpu.memory_space<hbm>>
      %dma_start3A_16 = tpu.memref_slice %arg5[%add3A_4] : memref<327680xi32, #tpu.memory_space<hbm>> -> memref<128xi32, #tpu.memory_space<hbm>>
      tpu.enqueue_dma source(%dma_start3A_16 : memref<128xi32, #tpu.memory_space<hbm>>) target(%arg8 : memref<128xi32, #tpu.memory_space<vmem>>) target_semaphore(%run_scoped3A : memref<!tpu.dma_semaphore, #tpu.memory_space<semaphore_mem>>)
      %dma_wait3A = tpu.memref_slice %arg5[%add3A_4] : memref<327680xi32, #tpu.memory_space<hbm>> -> memref<128xi32, #tpu.memory_space<hbm>>
      %dma_wait3A_17 = tpu.memref_slice %arg5[%add3A_4] : memref<327680xi32, #tpu.memory_space<hbm>> -> memref<128xi32, #tpu.memory_space<hbm>>
      tpu.wait_dma2 semaphore(%run_scoped3A : memref<!tpu.dma_semaphore, #tpu.memory_space<semaphore_mem>>) src(%dma_wait3A_17 : memref<128xi32, #tpu.memory_space<hbm>>) dst(%arg8 : memref<128xi32, #tpu.memory_space<vmem>>)
      tpu.yield
    }) : () -> ()
    %dma_start3A = arith.constant 0 : i32
    %dma_start3A_5 = arith.constant 0 : i32
    %dma_start3A_6 = tpu.memref_slice %arg2[%dma_start3A, %dma_start3A_5] : memref<10000x128xf32, #tpu.memory_space<hbm>> -> memref<10000x128xf32, #tpu.memory_space<hbm>>
    tpu.enqueue_indirect_dma source(%dma_start3A_6 : memref<10000x128xf32, #tpu.memory_space<hbm>>) target(%arg11 : memref<128x128xf32, #tpu.memory_space<vmem>>) offsets(%arg7 : memref<128xi32, #tpu.memory_space<vmem>>) semaphore(%arg15 : memref<!tpu.dma_semaphore, #tpu.memory_space<semaphore_mem>>)
    %dma_start3A_7 = arith.constant 0 : i32
    %dma_start3A_8 = arith.constant 0 : i32
    %dma_start3A_9 = tpu.memref_slice %arg3[%dma_start3A_7, %dma_start3A_8] : memref<10000x128xf32, #tpu.memory_space<hbm>> -> memref<10000x128xf32, #tpu.memory_space<hbm>>
    tpu.enqueue_indirect_dma source(%dma_start3A_9 : memref<10000x128xf32, #tpu.memory_space<hbm>>) target(%arg12 : memref<128x128xf32, #tpu.memory_space<vmem>>) offsets(%arg8 : memref<128xi32, #tpu.memory_space<vmem>>) semaphore(%arg16 : memref<!tpu.dma_semaphore, #tpu.memory_space<semaphore_mem>>)
    %scan3A = arith.constant 0 : i32
    %scan3A_10 = arith.constant 0 : i32
    %scan3A_11 = arith.constant 40 : i32
    %scan3A_12 = arith.addi %scan3A_10, %scan3A_11 : i32
    %scan3A_13 = arith.constant 1 : i32
    scf.for %scan3A_15 = %scan3A_10 to %scan3A_12 step %scan3A_13  : i32 {
      %mul3A_16 = arith.constant 2 : i32
      %mul3A_17 = arith.muli %mul3A_16, %scan3A_15 : i32
      %add3A_18 = arith.constant 1 : i32
      %add3A_19 = arith.addi %mul3A_17, %add3A_18 : i32
      %mul3A_20 = arith.constant 128 : i32
      %mul3A_21 = arith.muli %add3A_19, %mul3A_20 : i32
      %add3A_22 = arith.addi %mul3A_2, %mul3A_21 : i32
      "tpu.region"() ({
        %run_scoped3A = tpu.sem_alloc : memref<!tpu.dma_semaphore, #tpu.memory_space<semaphore_mem>>
        %dma_start3A_70 = tpu.memref_slice %arg4[%add3A_22] : memref<327680xi32, #tpu.memory_space<hbm>> -> memref<128xi32, #tpu.memory_space<hbm>>
        %dma_start3A_71 = tpu.memref_slice %arg4[%add3A_22] : memref<327680xi32, #tpu.memory_space<hbm>> -> memref<128xi32, #tpu.memory_space<hbm>>
        tpu.enqueue_dma source(%dma_start3A_71 : memref<128xi32, #tpu.memory_space<hbm>>) target(%arg9 : memref<128xi32, #tpu.memory_space<vmem>>) target_semaphore(%run_scoped3A : memref<!tpu.dma_semaphore, #tpu.memory_space<semaphore_mem>>)
        %dma_wait3A_72 = tpu.memref_slice %arg4[%add3A_22] : memref<327680xi32, #tpu.memory_space<hbm>> -> memref<128xi32, #tpu.memory_space<hbm>>
        %dma_wait3A_73 = tpu.memref_slice %arg4[%add3A_22] : memref<327680xi32, #tpu.memory_space<hbm>> -> memref<128xi32, #tpu.memory_space<hbm>>
        tpu.wait_dma2 semaphore(%run_scoped3A : memref<!tpu.dma_semaphore, #tpu.memory_space<semaphore_mem>>) src(%dma_wait3A_73 : memref<128xi32, #tpu.memory_space<hbm>>) dst(%arg9 : memref<128xi32, #tpu.memory_space<vmem>>)
        tpu.yield
      }) : () -> ()
      "tpu.region"() ({
        %run_scoped3A = tpu.sem_alloc : memref<!tpu.dma_semaphore, #tpu.memory_space<semaphore_mem>>
        %dma_start3A_70 = tpu.memref_slice %arg5[%add3A_22] : memref<327680xi32, #tpu.memory_space<hbm>> -> memref<128xi32, #tpu.memory_space<hbm>>
        %dma_start3A_71 = tpu.memref_slice %arg5[%add3A_22] : memref<327680xi32, #tpu.memory_space<hbm>> -> memref<128xi32, #tpu.memory_space<hbm>>
        tpu.enqueue_dma source(%dma_start3A_71 : memref<128xi32, #tpu.memory_space<hbm>>) target(%arg10 : memref<128xi32, #tpu.memory_space<vmem>>) target_semaphore(%run_scoped3A : memref<!tpu.dma_semaphore, #tpu.memory_space<semaphore_mem>>)
        %dma_wait3A_72 = tpu.memref_slice %arg5[%add3A_22] : memref<327680xi32, #tpu.memory_space<hbm>> -> memref<128xi32, #tpu.memory_space<hbm>>
        %dma_wait3A_73 = tpu.memref_slice %arg5[%add3A_22] : memref<327680xi32, #tpu.memory_space<hbm>> -> memref<128xi32, #tpu.memory_space<hbm>>
        tpu.wait_dma2 semaphore(%run_scoped3A : memref<!tpu.dma_semaphore, #tpu.memory_space<semaphore_mem>>) src(%dma_wait3A_73 : memref<128xi32, #tpu.memory_space<hbm>>) dst(%arg10 : memref<128xi32, #tpu.memory_space<vmem>>)
        tpu.yield
      }) : () -> ()
      %dma_start3A_23 = arith.constant 0 : i32
      %dma_start3A_24 = arith.constant 0 : i32
      %dma_start3A_25 = tpu.memref_slice %arg2[%dma_start3A_23, %dma_start3A_24] : memref<10000x128xf32, #tpu.memory_space<hbm>> -> memref<10000x128xf32, #tpu.memory_space<hbm>>
      tpu.enqueue_indirect_dma source(%dma_start3A_25 : memref<10000x128xf32, #tpu.memory_space<hbm>>) target(%arg13 : memref<128x128xf32, #tpu.memory_space<vmem>>) offsets(%arg9 : memref<128xi32, #tpu.memory_space<vmem>>) semaphore(%arg17 : memref<!tpu.dma_semaphore, #tpu.memory_space<semaphore_mem>>)
      %dma_start3A_26 = arith.constant 0 : i32
      %dma_start3A_27 = arith.constant 0 : i32
      %dma_start3A_28 = tpu.memref_slice %arg3[%dma_start3A_26, %dma_start3A_27] : memref<10000x128xf32, #tpu.memory_space<hbm>> -> memref<10000x128xf32, #tpu.memory_space<hbm>>
      tpu.enqueue_indirect_dma source(%dma_start3A_28 : memref<10000x128xf32, #tpu.memory_space<hbm>>) target(%arg14 : memref<128x128xf32, #tpu.memory_space<vmem>>) offsets(%arg10 : memref<128xi32, #tpu.memory_space<vmem>>) semaphore(%arg18 : memref<!tpu.dma_semaphore, #tpu.memory_space<semaphore_mem>>)
      %mul3A_29 = arith.constant 2 : i32
      %mul3A_30 = arith.muli %mul3A_29, %scan3A_15 : i32
      %mul3A_31 = arith.constant 128 : i32
      %mul3A_32 = arith.muli %mul3A_30, %mul3A_31 : i32
      %add3A_33 = arith.addi %mul3A_2, %mul3A_32 : i32
      %dma_wait3A = arith.constant 0 : i32
      %dma_wait3A_34 = arith.constant 0 : i32
      %dma_wait3A_35 = tpu.memref_slice %arg2[%dma_wait3A, %dma_wait3A_34] : memref<10000x128xf32, #tpu.memory_space<hbm>> -> memref<10000x128xf32, #tpu.memory_space<hbm>>
      tpu.wait_indirect_dma semaphore(%arg15 : memref<!tpu.dma_semaphore, #tpu.memory_space<semaphore_mem>>) src(%dma_wait3A_35 : memref<10000x128xf32, #tpu.memory_space<hbm>>) dst(%arg11 : memref<128x128xf32, #tpu.memory_space<vmem>>)
      %dma_wait3A_36 = arith.constant 0 : i32
      %dma_wait3A_37 = arith.constant 0 : i32
      %dma_wait3A_38 = tpu.memref_slice %arg3[%dma_wait3A_36, %dma_wait3A_37] : memref<10000x128xf32, #tpu.memory_space<hbm>> -> memref<10000x128xf32, #tpu.memory_space<hbm>>
      tpu.wait_indirect_dma semaphore(%arg16 : memref<!tpu.dma_semaphore, #tpu.memory_space<semaphore_mem>>) src(%dma_wait3A_38 : memref<10000x128xf32, #tpu.memory_space<hbm>>) dst(%arg12 : memref<128x128xf32, #tpu.memory_space<vmem>>)
      %scan3A_39 = arith.constant 0 : i32
      %scan3A_40 = arith.constant 0 : i32
      %scan3A_41 = arith.constant 128 : i32
      %scan3A_42 = arith.addi %scan3A_40, %scan3A_41 : i32
      %scan3A_43 = arith.constant 1 : i32
      scf.for %scan3A_70 = %scan3A_40 to %scan3A_42 step %scan3A_43  : i32 {
        %get3A = arith.index_cast %scan3A_70 : i32 to index
        %get3A_71 = arith.constant 0 : index
        %get3A_72 = tpu.vector_load %arg11[%get3A, %get3A_71] {strides = array<i32>} : memref<128x128xf32, #tpu.memory_space<vmem>>, vector<1x16xf32>,
        %get3A_73 = vector.shape_cast %get3A_72 : vector<1x16xf32> to vector<16xf32>
        %get3A_74 = arith.index_cast %scan3A_70 : i32 to index
        %get3A_75 = arith.constant 0 : index
        %get3A_76 = tpu.vector_load %arg12[%get3A_74, %get3A_75] {strides = array<i32>} : memref<128x128xf32, #tpu.memory_space<vmem>>, vector<1x16xf32>,
        %get3A_77 = vector.shape_cast %get3A_76 : vector<1x16xf32> to vector<16xf32>
        %add3A_78 = arith.addf %get3A_73, %get3A_77 : vector<16xf32>
        %swap3A = arith.index_cast %scan3A_70 : i32 to index
        %swap3A_79 = arith.constant 0 : index
        %swap3A_80 = tpu.vector_load %arg11[%swap3A, %swap3A_79] {strides = array<i32>} : memref<128x128xf32, #tpu.memory_space<vmem>>, vector<1x16xf32>,
        %swap3A_81 = vector.shape_cast %swap3A_80 : vector<1x16xf32> to vector<16xf32>
        %swap3A_82 = vector.shape_cast %add3A_78 : vector<16xf32> to vector<1x16xf32>
        tpu.vector_store %arg11[%swap3A, %swap3A_79], %swap3A_82 {strides = array<i32>} : memref<128x128xf32, #tpu.memory_space<vmem>>, vector<1x16xf32>,
        %get3A_83 = arith.index_cast %scan3A_70 : i32 to index
        %get3A_84 = arith.constant 16 : index
        %get3A_85 = tpu.vector_load %arg11[%get3A_83, %get3A_84] {strides = array<i32>} : memref<128x128xf32, #tpu.memory_space<vmem>>, vector<1x16xf32>,
        %get3A_86 = vector.shape_cast %get3A_85 : vector<1x16xf32> to vector<16xf32>
        %get3A_87 = arith.index_cast %scan3A_70 : i32 to index
        %get3A_88 = arith.constant 16 : index
        %get3A_89 = tpu.vector_load %arg12[%get3A_87, %get3A_88] {strides = array<i32>} : memref<128x128xf32, #tpu.memory_space<vmem>>, vector<1x16xf32>,
        %get3A_90 = vector.shape_cast %get3A_89 : vector<1x16xf32> to vector<16xf32>
        %add3A_91 = arith.addf %get3A_86, %get3A_90 : vector<16xf32>
        %swap3A_92 = arith.index_cast %scan3A_70 : i32 to index
        %swap3A_93 = arith.constant 16 : index
        %swap3A_94 = tpu.vector_load %arg11[%swap3A_92, %swap3A_93] {strides = array<i32>} : memref<128x128xf32, #tpu.memory_space<vmem>>, vector<1x16xf32>,
        %swap3A_95 = vector.shape_cast %swap3A_94 : vector<1x16xf32> to vector<16xf32>
        %swap3A_96 = vector.shape_cast %add3A_91 : vector<16xf32> to vector<1x16xf32>
        tpu.vector_store %arg11[%swap3A_92, %swap3A_93], %swap3A_96 {strides = array<i32>} : memref<128x128xf32, #tpu.memory_space<vmem>>, vector<1x16xf32>,
        %get3A_97 = arith.index_cast %scan3A_70 : i32 to index
        %get3A_98 = arith.constant 32 : index
        %get3A_99 = tpu.vector_load %arg11[%get3A_97, %get3A_98] {strides = array<i32>} : memref<128x128xf32, #tpu.memory_space<vmem>>, vector<1x16xf32>,
        %get3A_100 = vector.shape_cast %get3A_99 : vector<1x16xf32> to vector<16xf32>
        %get3A_101 = arith.index_cast %scan3A_70 : i32 to index
        %get3A_102 = arith.constant 32 : index
        %get3A_103 = tpu.vector_load %arg12[%get3A_101, %get3A_102] {strides = array<i32>} : memref<128x128xf32, #tpu.memory_space<vmem>>, vector<1x16xf32>,
        %get3A_104 = vector.shape_cast %get3A_103 : vector<1x16xf32> to vector<16xf32>
        %add3A_105 = arith.addf %get3A_100, %get3A_104 : vector<16xf32>
        %swap3A_106 = arith.index_cast %scan3A_70 : i32 to index
        %swap3A_107 = arith.constant 32 : index
        %swap3A_108 = tpu.vector_load %arg11[%swap3A_106, %swap3A_107] {strides = array<i32>} : memref<128x128xf32, #tpu.memory_space<vmem>>, vector<1x16xf32>,
        %swap3A_109 = vector.shape_cast %swap3A_108 : vector<1x16xf32> to vector<16xf32>
        %swap3A_110 = vector.shape_cast %add3A_105 : vector<16xf32> to vector<1x16xf32>
        tpu.vector_store %arg11[%swap3A_106, %swap3A_107], %swap3A_110 {strides = array<i32>} : memref<128x128xf32, #tpu.memory_space<vmem>>, vector<1x16xf32>,
        %get3A_111 = arith.index_cast %scan3A_70 : i32 to index
        %get3A_112 = arith.constant 48 : index
        %get3A_113 = tpu.vector_load %arg11[%get3A_111, %get3A_112] {strides = array<i32>} : memref<128x128xf32, #tpu.memory_space<vmem>>, vector<1x16xf32>,
        %get3A_114 = vector.shape_cast %get3A_113 : vector<1x16xf32> to vector<16xf32>
        %get3A_115 = arith.index_cast %scan3A_70 : i32 to index
        %get3A_116 = arith.constant 48 : index
        %get3A_117 = tpu.vector_load %arg12[%get3A_115, %get3A_116] {strides = array<i32>} : memref<128x128xf32, #tpu.memory_space<vmem>>, vector<1x16xf32>,
        %get3A_118 = vector.shape_cast %get3A_117 : vector<1x16xf32> to vector<16xf32>
        %add3A_119 = arith.addf %get3A_114, %get3A_118 : vector<16xf32>
        %swap3A_120 = arith.index_cast %scan3A_70 : i32 to index
        %swap3A_121 = arith.constant 48 : index
        %swap3A_122 = tpu.vector_load %arg11[%swap3A_120, %swap3A_121] {strides = array<i32>} : memref<128x128xf32, #tpu.memory_space<vmem>>, vector<1x16xf32>,
        %swap3A_123 = vector.shape_cast %swap3A_122 : vector<1x16xf32> to vector<16xf32>
        %swap3A_124 = vector.shape_cast %add3A_119 : vector<16xf32> to vector<1x16xf32>
        tpu.vector_store %arg11[%swap3A_120, %swap3A_121], %swap3A_124 {strides = array<i32>} : memref<128x128xf32, #tpu.memory_space<vmem>>, vector<1x16xf32>,
        %get3A_125 = arith.index_cast %scan3A_70 : i32 to index
        %get3A_126 = arith.constant 64 : index
        %get3A_127 = tpu.vector_load %arg11[%get3A_125, %get3A_126] {strides = array<i32>} : memref<128x128xf32, #tpu.memory_space<vmem>>, vector<1x16xf32>,
        %get3A_128 = vector.shape_cast %get3A_127 : vector<1x16xf32> to vector<16xf32>
        %get3A_129 = arith.index_cast %scan3A_70 : i32 to index
        %get3A_130 = arith.constant 64 : index
        %get3A_131 = tpu.vector_load %arg12[%get3A_129, %get3A_130] {strides = array<i32>} : memref<128x128xf32, #tpu.memory_space<vmem>>, vector<1x16xf32>,
        %get3A_132 = vector.shape_cast %get3A_131 : vector<1x16xf32> to vector<16xf32>
        %add3A_133 = arith.addf %get3A_128, %get3A_132 : vector<16xf32>
        %swap3A_134 = arith.index_cast %scan3A_70 : i32 to index
        %swap3A_135 = arith.constant 64 : index
        %swap3A_136 = tpu.vector_load %arg11[%swap3A_134, %swap3A_135] {strides = array<i32>} : memref<128x128xf32, #tpu.memory_space<vmem>>, vector<1x16xf32>,
        %swap3A_137 = vector.shape_cast %swap3A_136 : vector<1x16xf32> to vector<16xf32>
        %swap3A_138 = vector.shape_cast %add3A_133 : vector<16xf32> to vector<1x16xf32>
        tpu.vector_store %arg11[%swap3A_134, %swap3A_135], %swap3A_138 {strides = array<i32>} : memref<128x128xf32, #tpu.memory_space<vmem>>, vector<1x16xf32>,
        %get3A_139 = arith.index_cast %scan3A_70 : i32 to index
        %get3A_140 = arith.constant 80 : index
        %get3A_141 = tpu.vector_load %arg11[%get3A_139, %get3A_140] {strides = array<i32>} : memref<128x128xf32, #tpu.memory_space<vmem>>, vector<1x16xf32>,
        %get3A_142 = vector.shape_cast %get3A_141 : vector<1x16xf32> to vector<16xf32>
        %get3A_143 = arith.index_cast %scan3A_70 : i32 to index
        %get3A_144 = arith.constant 80 : index
        %get3A_145 = tpu.vector_load %arg12[%get3A_143, %get3A_144] {strides = array<i32>} : memref<128x128xf32, #tpu.memory_space<vmem>>, vector<1x16xf32>,
        %get3A_146 = vector.shape_cast %get3A_145 : vector<1x16xf32> to vector<16xf32>
        %add3A_147 = arith.addf %get3A_142, %get3A_146 : vector<16xf32>
        %swap3A_148 = arith.index_cast %scan3A_70 : i32 to index
        %swap3A_149 = arith.constant 80 : index
        %swap3A_150 = tpu.vector_load %arg11[%swap3A_148, %swap3A_149] {strides = array<i32>} : memref<128x128xf32, #tpu.memory_space<vmem>>, vector<1x16xf32>,
        %swap3A_151 = vector.shape_cast %swap3A_150 : vector<1x16xf32> to vector<16xf32>
        %swap3A_152 = vector.shape_cast %add3A_147 : vector<16xf32> to vector<1x16xf32>
        tpu.vector_store %arg11[%swap3A_148, %swap3A_149], %swap3A_152 {strides = array<i32>} : memref<128x128xf32, #tpu.memory_space<vmem>>, vector<1x16xf32>,
        %get3A_153 = arith.index_cast %scan3A_70 : i32 to index
        %get3A_154 = arith.constant 96 : index
        %get3A_155 = tpu.vector_load %arg11[%get3A_153, %get3A_154] {strides = array<i32>} : memref<128x128xf32, #tpu.memory_space<vmem>>, vector<1x16xf32>,
        %get3A_156 = vector.shape_cast %get3A_155 : vector<1x16xf32> to vector<16xf32>
        %get3A_157 = arith.index_cast %scan3A_70 : i32 to index
        %get3A_158 = arith.constant 96 : index
        %get3A_159 = tpu.vector_load %arg12[%get3A_157, %get3A_158] {strides = array<i32>} : memref<128x128xf32, #tpu.memory_space<vmem>>, vector<1x16xf32>,
        %get3A_160 = vector.shape_cast %get3A_159 : vector<1x16xf32> to vector<16xf32>
        %add3A_161 = arith.addf %get3A_156, %get3A_160 : vector<16xf32>
        %swap3A_162 = arith.index_cast %scan3A_70 : i32 to index
        %swap3A_163 = arith.constant 96 : index
        %swap3A_164 = tpu.vector_load %arg11[%swap3A_162, %swap3A_163] {strides = array<i32>} : memref<128x128xf32, #tpu.memory_space<vmem>>, vector<1x16xf32>,
        %swap3A_165 = vector.shape_cast %swap3A_164 : vector<1x16xf32> to vector<16xf32>
        %swap3A_166 = vector.shape_cast %add3A_161 : vector<16xf32> to vector<1x16xf32>
        tpu.vector_store %arg11[%swap3A_162, %swap3A_163], %swap3A_166 {strides = array<i32>} : memref<128x128xf32, #tpu.memory_space<vmem>>, vector<1x16xf32>,
        %get3A_167 = arith.index_cast %scan3A_70 : i32 to index
        %get3A_168 = arith.constant 112 : index
        %get3A_169 = tpu.vector_load %arg11[%get3A_167, %get3A_168] {strides = array<i32>} : memref<128x128xf32, #tpu.memory_space<vmem>>, vector<1x16xf32>,
        %get3A_170 = vector.shape_cast %get3A_169 : vector<1x16xf32> to vector<16xf32>
        %get3A_171 = arith.index_cast %scan3A_70 : i32 to index
        %get3A_172 = arith.constant 112 : index
        %get3A_173 = tpu.vector_load %arg12[%get3A_171, %get3A_172] {strides = array<i32>} : memref<128x128xf32, #tpu.memory_space<vmem>>, vector<1x16xf32>,
        %get3A_174 = vector.shape_cast %get3A_173 : vector<1x16xf32> to vector<16xf32>
        %add3A_175 = arith.addf %get3A_170, %get3A_174 : vector<16xf32>
        %swap3A_176 = arith.index_cast %scan3A_70 : i32 to index
        %swap3A_177 = arith.constant 112 : index
        %swap3A_178 = tpu.vector_load %arg11[%swap3A_176, %swap3A_177] {strides = array<i32>} : memref<128x128xf32, #tpu.memory_space<vmem>>, vector<1x16xf32>,
        %swap3A_179 = vector.shape_cast %swap3A_178 : vector<1x16xf32> to vector<16xf32>
        %swap3A_180 = vector.shape_cast %add3A_175 : vector<16xf32> to vector<1x16xf32>
        tpu.vector_store %arg11[%swap3A_176, %swap3A_177], %swap3A_180 {strides = array<i32>} : memref<128x128xf32, #tpu.memory_space<vmem>>, vector<1x16xf32>,
      }
      %scan3A_44 = arith.constant 128 : i32
      "tpu.region"() ({
        %run_scoped3A = tpu.sem_alloc : memref<!tpu.dma_semaphore, #tpu.memory_space<semaphore_mem>>
        %dma_start3A_70 = arith.constant 0 : i32
        %dma_start3A_71 = tpu.memref_slice %arg6[%add3A_33, %dma_start3A_70] : memref<327680x128xf32, #tpu.memory_space<hbm>> -> memref<128x128xf32, #tpu.memory_space<hbm>>
        %dma_start3A_72 = arith.constant 0 : i32
        %dma_start3A_73 = tpu.memref_slice %arg6[%add3A_33, %dma_start3A_72] : memref<327680x128xf32, #tpu.memory_space<hbm>> -> memref<128x128xf32, #tpu.memory_space<hbm>>
        tpu.enqueue_dma source(%arg11 : memref<128x128xf32, #tpu.memory_space<vmem>>) target(%dma_start3A_73 : memref<128x128xf32, #tpu.memory_space<hbm>>) target_semaphore(%run_scoped3A : memref<!tpu.dma_semaphore, #tpu.memory_space<semaphore_mem>>)
        %dma_wait3A_74 = arith.constant 0 : i32
        %dma_wait3A_75 = tpu.memref_slice %arg6[%add3A_33, %dma_wait3A_74] : memref<327680x128xf32, #tpu.memory_space<hbm>> -> memref<128x128xf32, #tpu.memory_space<hbm>>
        %dma_wait3A_76 = arith.constant 0 : i32
        %dma_wait3A_77 = tpu.memref_slice %arg6[%add3A_33, %dma_wait3A_76] : memref<327680x128xf32, #tpu.memory_space<hbm>> -> memref<128x128xf32, #tpu.memory_space<hbm>>
        tpu.wait_dma2 semaphore(%run_scoped3A : memref<!tpu.dma_semaphore, #tpu.memory_space<semaphore_mem>>) src(%arg11 : memref<128x128xf32, #tpu.memory_space<vmem>>) dst(%dma_wait3A_77 : memref<128x128xf32, #tpu.memory_space<hbm>>)
        tpu.yield
      }) : () -> ()
      %mul3A_45 = arith.constant 2 : i32
      %mul3A_46 = arith.muli %mul3A_45, %scan3A_15 : i32
      %add3A_47 = arith.constant 2 : i32
      %add3A_48 = arith.addi %mul3A_46, %add3A_47 : i32
      %lt3A = arith.constant 80 : i32
      %lt3A_49 = arith.cmpi slt, %add3A_48, %lt3A : i32
      %convert_element_type3A = arith.extui %lt3A_49 : i1 to i32
      %cond3A = arith.constant 0 : i32
      %cond3A_50 = arith.cmpi ne, %convert_element_type3A, %cond3A : i32
      scf.if %cond3A_50 {
        %mul3A_70 = arith.constant 2 : i32
        %mul3A_71 = arith.muli %mul3A_70, %scan3A_15 : i32
        %add3A_72 = arith.constant 2 : i32
        %add3A_73 = arith.addi %mul3A_71, %add3A_72 : i32
        %mul3A_74 = arith.constant 128 : i32
        %mul3A_75 = arith.muli %add3A_73, %mul3A_74 : i32
        %add3A_76 = arith.addi %mul3A_2, %mul3A_75 : i32
        "tpu.region"() ({
          %run_scoped3A = tpu.sem_alloc : memref<!tpu.dma_semaphore, #tpu.memory_space<semaphore_mem>>
          %dma_start3A_83 = tpu.memref_slice %arg4[%add3A_76] : memref<327680xi32, #tpu.memory_space<hbm>> -> memref<128xi32, #tpu.memory_space<hbm>>
          %dma_start3A_84 = tpu.memref_slice %arg4[%add3A_76] : memref<327680xi32, #tpu.memory_space<hbm>> -> memref<128xi32, #tpu.memory_space<hbm>>
          tpu.enqueue_dma source(%dma_start3A_84 : memref<128xi32, #tpu.memory_space<hbm>>) target(%arg7 : memref<128xi32, #tpu.memory_space<vmem>>) target_semaphore(%run_scoped3A : memref<!tpu.dma_semaphore, #tpu.memory_space<semaphore_mem>>)
          %dma_wait3A_85 = tpu.memref_slice %arg4[%add3A_76] : memref<327680xi32, #tpu.memory_space<hbm>> -> memref<128xi32, #tpu.memory_space<hbm>>
          %dma_wait3A_86 = tpu.memref_slice %arg4[%add3A_76] : memref<327680xi32, #tpu.memory_space<hbm>> -> memref<128xi32, #tpu.memory_space<hbm>>
          tpu.wait_dma2 semaphore(%run_scoped3A : memref<!tpu.dma_semaphore, #tpu.memory_space<semaphore_mem>>) src(%dma_wait3A_86 : memref<128xi32, #tpu.memory_space<hbm>>) dst(%arg7 : memref<128xi32, #tpu.memory_space<vmem>>)
          tpu.yield
        }) : () -> ()
        "tpu.region"() ({
          %run_scoped3A = tpu.sem_alloc : memref<!tpu.dma_semaphore, #tpu.memory_space<semaphore_mem>>
          %dma_start3A_83 = tpu.memref_slice %arg5[%add3A_76] : memref<327680xi32, #tpu.memory_space<hbm>> -> memref<128xi32, #tpu.memory_space<hbm>>
          %dma_start3A_84 = tpu.memref_slice %arg5[%add3A_76] : memref<327680xi32, #tpu.memory_space<hbm>> -> memref<128xi32, #tpu.memory_space<hbm>>
          tpu.enqueue_dma source(%dma_start3A_84 : memref<128xi32, #tpu.memory_space<hbm>>) target(%arg8 : memref<128xi32, #tpu.memory_space<vmem>>) target_semaphore(%run_scoped3A : memref<!tpu.dma_semaphore, #tpu.memory_space<semaphore_mem>>)
          %dma_wait3A_85 = tpu.memref_slice %arg5[%add3A_76] : memref<327680xi32, #tpu.memory_space<hbm>> -> memref<128xi32, #tpu.memory_space<hbm>>
          %dma_wait3A_86 = tpu.memref_slice %arg5[%add3A_76] : memref<327680xi32, #tpu.memory_space<hbm>> -> memref<128xi32, #tpu.memory_space<hbm>>
          tpu.wait_dma2 semaphore(%run_scoped3A : memref<!tpu.dma_semaphore, #tpu.memory_space<semaphore_mem>>) src(%dma_wait3A_86 : memref<128xi32, #tpu.memory_space<hbm>>) dst(%arg8 : memref<128xi32, #tpu.memory_space<vmem>>)
          tpu.yield
        }) : () -> ()
        %dma_start3A_77 = arith.constant 0 : i32
        %dma_start3A_78 = arith.constant 0 : i32
        %dma_start3A_79 = tpu.memref_slice %arg2[%dma_start3A_77, %dma_start3A_78] : memref<10000x128xf32, #tpu.memory_space<hbm>> -> memref<10000x128xf32, #tpu.memory_space<hbm>>
        tpu.enqueue_indirect_dma source(%dma_start3A_79 : memref<10000x128xf32, #tpu.memory_space<hbm>>) target(%arg11 : memref<128x128xf32, #tpu.memory_space<vmem>>) offsets(%arg7 : memref<128xi32, #tpu.memory_space<vmem>>) semaphore(%arg15 : memref<!tpu.dma_semaphore, #tpu.memory_space<semaphore_mem>>)
        %dma_start3A_80 = arith.constant 0 : i32
        %dma_start3A_81 = arith.constant 0 : i32
        %dma_start3A_82 = tpu.memref_slice %arg3[%dma_start3A_80, %dma_start3A_81] : memref<10000x128xf32, #tpu.memory_space<hbm>> -> memref<10000x128xf32, #tpu.memory_space<hbm>>
        tpu.enqueue_indirect_dma source(%dma_start3A_82 : memref<10000x128xf32, #tpu.memory_space<hbm>>) target(%arg12 : memref<128x128xf32, #tpu.memory_space<vmem>>) offsets(%arg8 : memref<128xi32, #tpu.memory_space<vmem>>) semaphore(%arg16 : memref<!tpu.dma_semaphore, #tpu.memory_space<semaphore_mem>>)
      } else {
      }
      %mul3A_51 = arith.constant 2 : i32
      %mul3A_52 = arith.muli %mul3A_51, %scan3A_15 : i32
      %add3A_53 = arith.constant 1 : i32
      %add3A_54 = arith.addi %mul3A_52, %add3A_53 : i32
      %mul3A_55 = arith.constant 128 : i32
      %mul3A_56 = arith.muli %add3A_54, %mul3A_55 : i32
      %add3A_57 = arith.addi %mul3A_2, %mul3A_56 : i32
      %dma_wait3A_58 = arith.constant 0 : i32
      %dma_wait3A_59 = arith.constant 0 : i32
      %dma_wait3A_60 = tpu.memref_slice %arg2[%dma_wait3A_58, %dma_wait3A_59] : memref<10000x128xf32, #tpu.memory_space<hbm>> -> memref<10000x128xf32, #tpu.memory_space<hbm>>
      tpu.wait_indirect_dma semaphore(%arg17 : memref<!tpu.dma_semaphore, #tpu.memory_space<semaphore_mem>>) src(%dma_wait3A_60 : memref<10000x128xf32, #tpu.memory_space<hbm>>) dst(%arg13 : memref<128x128xf32, #tpu.memory_space<vmem>>)
      %dma_wait3A_61 = arith.constant 0 : i32
      %dma_wait3A_62 = arith.constant 0 : i32
      %dma_wait3A_63 = tpu.memref_slice %arg3[%dma_wait3A_61, %dma_wait3A_62] : memref<10000x128xf32, #tpu.memory_space<hbm>> -> memref<10000x128xf32, #tpu.memory_space<hbm>>
      tpu.wait_indirect_dma semaphore(%arg18 : memref<!tpu.dma_semaphore, #tpu.memory_space<semaphore_mem>>) src(%dma_wait3A_63 : memref<10000x128xf32, #tpu.memory_space<hbm>>) dst(%arg14 : memref<128x128xf32, #tpu.memory_space<vmem>>)
      %scan3A_64 = arith.constant 0 : i32
      %scan3A_65 = arith.constant 0 : i32
      %scan3A_66 = arith.constant 128 : i32
      %scan3A_67 = arith.addi %scan3A_65, %scan3A_66 : i32
      %scan3A_68 = arith.constant 1 : i32
      scf.for %scan3A_70 = %scan3A_65 to %scan3A_67 step %scan3A_68  : i32 {
        %get3A = arith.index_cast %scan3A_70 : i32 to index
        %get3A_71 = arith.constant 0 : index
        %get3A_72 = tpu.vector_load %arg13[%get3A, %get3A_71] {strides = array<i32>} : memref<128x128xf32, #tpu.memory_space<vmem>>, vector<1x16xf32>,
        %get3A_73 = vector.shape_cast %get3A_72 : vector<1x16xf32> to vector<16xf32>
        %get3A_74 = arith.index_cast %scan3A_70 : i32 to index
        %get3A_75 = arith.constant 0 : index
        %get3A_76 = tpu.vector_load %arg14[%get3A_74, %get3A_75] {strides = array<i32>} : memref<128x128xf32, #tpu.memory_space<vmem>>, vector<1x16xf32>,
        %get3A_77 = vector.shape_cast %get3A_76 : vector<1x16xf32> to vector<16xf32>
        %add3A_78 = arith.addf %get3A_73, %get3A_77 : vector<16xf32>
        %swap3A = arith.index_cast %scan3A_70 : i32 to index
        %swap3A_79 = arith.constant 0 : index
        %swap3A_80 = tpu.vector_load %arg13[%swap3A, %swap3A_79] {strides = array<i32>} : memref<128x128xf32, #tpu.memory_space<vmem>>, vector<1x16xf32>,
        %swap3A_81 = vector.shape_cast %swap3A_80 : vector<1x16xf32> to vector<16xf32>
        %swap3A_82 = vector.shape_cast %add3A_78 : vector<16xf32> to vector<1x16xf32>
        tpu.vector_store %arg13[%swap3A, %swap3A_79], %swap3A_82 {strides = array<i32>} : memref<128x128xf32, #tpu.memory_space<vmem>>, vector<1x16xf32>,
        %get3A_83 = arith.index_cast %scan3A_70 : i32 to index
        %get3A_84 = arith.constant 16 : index
        %get3A_85 = tpu.vector_load %arg13[%get3A_83, %get3A_84] {strides = array<i32>} : memref<128x128xf32, #tpu.memory_space<vmem>>, vector<1x16xf32>,
        %get3A_86 = vector.shape_cast %get3A_85 : vector<1x16xf32> to vector<16xf32>
        %get3A_87 = arith.index_cast %scan3A_70 : i32 to index
        %get3A_88 = arith.constant 16 : index
        %get3A_89 = tpu.vector_load %arg14[%get3A_87, %get3A_88] {strides = array<i32>} : memref<128x128xf32, #tpu.memory_space<vmem>>, vector<1x16xf32>,
        %get3A_90 = vector.shape_cast %get3A_89 : vector<1x16xf32> to vector<16xf32>
        %add3A_91 = arith.addf %get3A_86, %get3A_90 : vector<16xf32>
        %swap3A_92 = arith.index_cast %scan3A_70 : i32 to index
        %swap3A_93 = arith.constant 16 : index
        %swap3A_94 = tpu.vector_load %arg13[%swap3A_92, %swap3A_93] {strides = array<i32>} : memref<128x128xf32, #tpu.memory_space<vmem>>, vector<1x16xf32>,
        %swap3A_95 = vector.shape_cast %swap3A_94 : vector<1x16xf32> to vector<16xf32>
        %swap3A_96 = vector.shape_cast %add3A_91 : vector<16xf32> to vector<1x16xf32>
        tpu.vector_store %arg13[%swap3A_92, %swap3A_93], %swap3A_96 {strides = array<i32>} : memref<128x128xf32, #tpu.memory_space<vmem>>, vector<1x16xf32>,
        %get3A_97 = arith.index_cast %scan3A_70 : i32 to index
        %get3A_98 = arith.constant 32 : index
        %get3A_99 = tpu.vector_load %arg13[%get3A_97, %get3A_98] {strides = array<i32>} : memref<128x128xf32, #tpu.memory_space<vmem>>, vector<1x16xf32>,
        %get3A_100 = vector.shape_cast %get3A_99 : vector<1x16xf32> to vector<16xf32>
        %get3A_101 = arith.index_cast %scan3A_70 : i32 to index
        %get3A_102 = arith.constant 32 : index
        %get3A_103 = tpu.vector_load %arg14[%get3A_101, %get3A_102] {strides = array<i32>} : memref<128x128xf32, #tpu.memory_space<vmem>>, vector<1x16xf32>,
        %get3A_104 = vector.shape_cast %get3A_103 : vector<1x16xf32> to vector<16xf32>
        %add3A_105 = arith.addf %get3A_100, %get3A_104 : vector<16xf32>
        %swap3A_106 = arith.index_cast %scan3A_70 : i32 to index
        %swap3A_107 = arith.constant 32 : index
        %swap3A_108 = tpu.vector_load %arg13[%swap3A_106, %swap3A_107] {strides = array<i32>} : memref<128x128xf32, #tpu.memory_space<vmem>>, vector<1x16xf32>,
        %swap3A_109 = vector.shape_cast %swap3A_108 : vector<1x16xf32> to vector<16xf32>
        %swap3A_110 = vector.shape_cast %add3A_105 : vector<16xf32> to vector<1x16xf32>
        tpu.vector_store %arg13[%swap3A_106, %swap3A_107], %swap3A_110 {strides = array<i32>} : memref<128x128xf32, #tpu.memory_space<vmem>>, vector<1x16xf32>,
        %get3A_111 = arith.index_cast %scan3A_70 : i32 to index
        %get3A_112 = arith.constant 48 : index
        %get3A_113 = tpu.vector_load %arg13[%get3A_111, %get3A_112] {strides = array<i32>} : memref<128x128xf32, #tpu.memory_space<vmem>>, vector<1x16xf32>,
        %get3A_114 = vector.shape_cast %get3A_113 : vector<1x16xf32> to vector<16xf32>
        %get3A_115 = arith.index_cast %scan3A_70 : i32 to index
        %get3A_116 = arith.constant 48 : index
        %get3A_117 = tpu.vector_load %arg14[%get3A_115, %get3A_116] {strides = array<i32>} : memref<128x128xf32, #tpu.memory_space<vmem>>, vector<1x16xf32>,
        %get3A_118 = vector.shape_cast %get3A_117 : vector<1x16xf32> to vector<16xf32>
        %add3A_119 = arith.addf %get3A_114, %get3A_118 : vector<16xf32>
        %swap3A_120 = arith.index_cast %scan3A_70 : i32 to index
        %swap3A_121 = arith.constant 48 : index
        %swap3A_122 = tpu.vector_load %arg13[%swap3A_120, %swap3A_121] {strides = array<i32>} : memref<128x128xf32, #tpu.memory_space<vmem>>, vector<1x16xf32>,
        %swap3A_123 = vector.shape_cast %swap3A_122 : vector<1x16xf32> to vector<16xf32>
        %swap3A_124 = vector.shape_cast %add3A_119 : vector<16xf32> to vector<1x16xf32>
        tpu.vector_store %arg13[%swap3A_120, %swap3A_121], %swap3A_124 {strides = array<i32>} : memref<128x128xf32, #tpu.memory_space<vmem>>, vector<1x16xf32>,
        %get3A_125 = arith.index_cast %scan3A_70 : i32 to index
        %get3A_126 = arith.constant 64 : index
        %get3A_127 = tpu.vector_load %arg13[%get3A_125, %get3A_126] {strides = array<i32>} : memref<128x128xf32, #tpu.memory_space<vmem>>, vector<1x16xf32>,
        %get3A_128 = vector.shape_cast %get3A_127 : vector<1x16xf32> to vector<16xf32>
        %get3A_129 = arith.index_cast %scan3A_70 : i32 to index
        %get3A_130 = arith.constant 64 : index
        %get3A_131 = tpu.vector_load %arg14[%get3A_129, %get3A_130] {strides = array<i32>} : memref<128x128xf32, #tpu.memory_space<vmem>>, vector<1x16xf32>,
        %get3A_132 = vector.shape_cast %get3A_131 : vector<1x16xf32> to vector<16xf32>
        %add3A_133 = arith.addf %get3A_128, %get3A_132 : vector<16xf32>
        %swap3A_134 = arith.index_cast %scan3A_70 : i32 to index
        %swap3A_135 = arith.constant 64 : index
        %swap3A_136 = tpu.vector_load %arg13[%swap3A_134, %swap3A_135] {strides = array<i32>} : memref<128x128xf32, #tpu.memory_space<vmem>>, vector<1x16xf32>,
        %swap3A_137 = vector.shape_cast %swap3A_136 : vector<1x16xf32> to vector<16xf32>
        %swap3A_138 = vector.shape_cast %add3A_133 : vector<16xf32> to vector<1x16xf32>
        tpu.vector_store %arg13[%swap3A_134, %swap3A_135], %swap3A_138 {strides = array<i32>} : memref<128x128xf32, #tpu.memory_space<vmem>>, vector<1x16xf32>,
        %get3A_139 = arith.index_cast %scan3A_70 : i32 to index
        %get3A_140 = arith.constant 80 : index
        %get3A_141 = tpu.vector_load %arg13[%get3A_139, %get3A_140] {strides = array<i32>} : memref<128x128xf32, #tpu.memory_space<vmem>>, vector<1x16xf32>,
        %get3A_142 = vector.shape_cast %get3A_141 : vector<1x16xf32> to vector<16xf32>
        %get3A_143 = arith.index_cast %scan3A_70 : i32 to index
        %get3A_144 = arith.constant 80 : index
        %get3A_145 = tpu.vector_load %arg14[%get3A_143, %get3A_144] {strides = array<i32>} : memref<128x128xf32, #tpu.memory_space<vmem>>, vector<1x16xf32>,
        %get3A_146 = vector.shape_cast %get3A_145 : vector<1x16xf32> to vector<16xf32>
        %add3A_147 = arith.addf %get3A_142, %get3A_146 : vector<16xf32>
        %swap3A_148 = arith.index_cast %scan3A_70 : i32 to index
        %swap3A_149 = arith.constant 80 : index
        %swap3A_150 = tpu.vector_load %arg13[%swap3A_148, %swap3A_149] {strides = array<i32>} : memref<128x128xf32, #tpu.memory_space<vmem>>, vector<1x16xf32>,
        %swap3A_151 = vector.shape_cast %swap3A_150 : vector<1x16xf32> to vector<16xf32>
        %swap3A_152 = vector.shape_cast %add3A_147 : vector<16xf32> to vector<1x16xf32>
        tpu.vector_store %arg13[%swap3A_148, %swap3A_149], %swap3A_152 {strides = array<i32>} : memref<128x128xf32, #tpu.memory_space<vmem>>, vector<1x16xf32>,
        %get3A_153 = arith.index_cast %scan3A_70 : i32 to index
        %get3A_154 = arith.constant 96 : index
        %get3A_155 = tpu.vector_load %arg13[%get3A_153, %get3A_154] {strides = array<i32>} : memref<128x128xf32, #tpu.memory_space<vmem>>, vector<1x16xf32>,
        %get3A_156 = vector.shape_cast %get3A_155 : vector<1x16xf32> to vector<16xf32>
        %get3A_157 = arith.index_cast %scan3A_70 : i32 to index
        %get3A_158 = arith.constant 96 : index
        %get3A_159 = tpu.vector_load %arg14[%get3A_157, %get3A_158] {strides = array<i32>} : memref<128x128xf32, #tpu.memory_space<vmem>>, vector<1x16xf32>,
        %get3A_160 = vector.shape_cast %get3A_159 : vector<1x16xf32> to vector<16xf32>
        %add3A_161 = arith.addf %get3A_156, %get3A_160 : vector<16xf32>
        %swap3A_162 = arith.index_cast %scan3A_70 : i32 to index
        %swap3A_163 = arith.constant 96 : index
        %swap3A_164 = tpu.vector_load %arg13[%swap3A_162, %swap3A_163] {strides = array<i32>} : memref<128x128xf32, #tpu.memory_space<vmem>>, vector<1x16xf32>,
        %swap3A_165 = vector.shape_cast %swap3A_164 : vector<1x16xf32> to vector<16xf32>
        %swap3A_166 = vector.shape_cast %add3A_161 : vector<16xf32> to vector<1x16xf32>
        tpu.vector_store %arg13[%swap3A_162, %swap3A_163], %swap3A_166 {strides = array<i32>} : memref<128x128xf32, #tpu.memory_space<vmem>>, vector<1x16xf32>,
        %get3A_167 = arith.index_cast %scan3A_70 : i32 to index
        %get3A_168 = arith.constant 112 : index
        %get3A_169 = tpu.vector_load %arg13[%get3A_167, %get3A_168] {strides = array<i32>} : memref<128x128xf32, #tpu.memory_space<vmem>>, vector<1x16xf32>,
        %get3A_170 = vector.shape_cast %get3A_169 : vector<1x16xf32> to vector<16xf32>
        %get3A_171 = arith.index_cast %scan3A_70 : i32 to index
        %get3A_172 = arith.constant 112 : index
        %get3A_173 = tpu.vector_load %arg14[%get3A_171, %get3A_172] {strides = array<i32>} : memref<128x128xf32, #tpu.memory_space<vmem>>, vector<1x16xf32>,
        %get3A_174 = vector.shape_cast %get3A_173 : vector<1x16xf32> to vector<16xf32>
        %add3A_175 = arith.addf %get3A_170, %get3A_174 : vector<16xf32>
        %swap3A_176 = arith.index_cast %scan3A_70 : i32 to index
        %swap3A_177 = arith.constant 112 : index
        %swap3A_178 = tpu.vector_load %arg13[%swap3A_176, %swap3A_177] {strides = array<i32>} : memref<128x128xf32, #tpu.memory_space<vmem>>, vector<1x16xf32>,
        %swap3A_179 = vector.shape_cast %swap3A_178 : vector<1x16xf32> to vector<16xf32>
        %swap3A_180 = vector.shape_cast %add3A_175 : vector<16xf32> to vector<1x16xf32>
        tpu.vector_store %arg13[%swap3A_176, %swap3A_177], %swap3A_180 {strides = array<i32>} : memref<128x128xf32, #tpu.memory_space<vmem>>, vector<1x16xf32>,
      }
      %scan3A_69 = arith.constant 128 : i32
      "tpu.region"() ({
        %run_scoped3A = tpu.sem_alloc : memref<!tpu.dma_semaphore, #tpu.memory_space<semaphore_mem>>
        %dma_start3A_70 = arith.constant 0 : i32
        %dma_start3A_71 = tpu.memref_slice %arg6[%add3A_57, %dma_start3A_70] : memref<327680x128xf32, #tpu.memory_space<hbm>> -> memref<128x128xf32, #tpu.memory_space<hbm>>
        %dma_start3A_72 = arith.constant 0 : i32
        %dma_start3A_73 = tpu.memref_slice %arg6[%add3A_57, %dma_start3A_72] : memref<327680x128xf32, #tpu.memory_space<hbm>> -> memref<128x128xf32, #tpu.memory_space<hbm>>
        tpu.enqueue_dma source(%arg13 : memref<128x128xf32, #tpu.memory_space<vmem>>) target(%dma_start3A_73 : memref<128x128xf32, #tpu.memory_space<hbm>>) target_semaphore(%run_scoped3A : memref<!tpu.dma_semaphore, #tpu.memory_space<semaphore_mem>>)
        %dma_wait3A_74 = arith.constant 0 : i32
        %dma_wait3A_75 = tpu.memref_slice %arg6[%add3A_57, %dma_wait3A_74] : memref<327680x128xf32, #tpu.memory_space<hbm>> -> memref<128x128xf32, #tpu.memory_space<hbm>>
        %dma_wait3A_76 = arith.constant 0 : i32
        %dma_wait3A_77 = tpu.memref_slice %arg6[%add3A_57, %dma_wait3A_76] : memref<327680x128xf32, #tpu.memory_space<hbm>> -> memref<128x128xf32, #tpu.memory_space<hbm>>
        tpu.wait_dma2 semaphore(%run_scoped3A : memref<!tpu.dma_semaphore, #tpu.memory_space<semaphore_mem>>) src(%arg13 : memref<128x128xf32, #tpu.memory_space<vmem>>) dst(%dma_wait3A_77 : memref<128x128xf32, #tpu.memory_space<hbm>>)
        tpu.yield
      }) : () -> ()
    }
    %scan3A_14 = arith.constant 40 : i32
    return
  }
}

module attributes {stable_mosaic.version = 14 : i64} {
  func.func @_tc_node_pre(%arg0: i32, %arg1: memref<1000x64xf32, #tpu.memory_space<vmem>>, %arg2: memref<1000x64xf32, #tpu.memory_space<vmem>>, %arg3: memref<64x128xf32, #tpu.memory_space<vmem>>, %arg4: memref<64x128xf32, #tpu.memory_space<vmem>>, %arg5: memref<64x128xf32, #tpu.memory_space<vmem>>, %arg6: memref<64x128xf32, #tpu.memory_space<vmem>>, %arg7: memref<64x64xf32, #tpu.memory_space<vmem>>, %arg8: memref<1000x128xf32, #tpu.memory_space<vmem>>, %arg9: memref<1000x128xf32, #tpu.memory_space<vmem>>, %arg10: memref<1000x128xf32, #tpu.memory_space<vmem>>) attributes {dimension_semantics = [#tpu.dimension_semantics<arbitrary>], iteration_bounds = array<i64: 10>, scalar_prefetch = 0 : i64, scratch_operands = 0 : i64, tpu.core_type = #tpu.core_type<tc>, window_params = [{transform_indices = @transform_0, window_bounds = array<i64: 1000, 64>}, {transform_indices = @transform_1, window_bounds = array<i64: 1000, 64>}, {pipeline_mode = #tpu.pipeline_mode<synchronous>, transform_indices = @transform_2, window_bounds = array<i64: 64, 128>}, {pipeline_mode = #tpu.pipeline_mode<synchronous>, transform_indices = @transform_3, window_bounds = array<i64: 64, 128>}, {pipeline_mode = #tpu.pipeline_mode<synchronous>, transform_indices = @transform_4, window_bounds = array<i64: 64, 128>}, {pipeline_mode = #tpu.pipeline_mode<synchronous>, transform_indices = @transform_5, window_bounds = array<i64: 64, 128>}, {pipeline_mode = #tpu.pipeline_mode<synchronous>, transform_indices = @transform_6, window_bounds = array<i64: 64, 64>}, {transform_indices = @transform_7, window_bounds = array<i64: 1000, 128>}, {transform_indices = @transform_8, window_bounds = array<i64: 1000, 128>}, {transform_indices = @transform_9, window_bounds = array<i64: 1000, 128>}]} {
    %get3A = arith.constant 0 : index
    %get3A_0 = arith.constant 0 : index
    %get3A_1 = vector.load %arg1[%get3A, %get3A_0] : memref<1000x64xf32, #tpu.memory_space<vmem>>, vector<1000x64xf32>
    %get3A_2 = arith.constant 0 : index
    %get3A_3 = arith.constant 0 : index
    %get3A_4 = vector.load %arg2[%get3A_2, %get3A_3] : memref<1000x64xf32, #tpu.memory_space<vmem>>, vector<1000x64xf32>
    %get3A_5 = arith.constant 0 : index
    %get3A_6 = arith.constant 0 : index
    %get3A_7 = vector.load %arg3[%get3A_5, %get3A_6] : memref<64x128xf32, #tpu.memory_space<vmem>>, vector<64x128xf32>
    %dot_general3A = arith.constant dense<0.000000e+00> : vector<1000x128xf32>
    %dot_general3A_8 = tpu.matmul %get3A_1, %get3A_7, %dot_general3A {dimension_numbers = #tpu.dot_dimension_numbers<[1], [0], [0], [1], [0, 0, 1, 1], [], []>, transpose_lhs_hint = false} : vector<1000x64xf32>, vector<64x128xf32>, vector<1000x128xf32> -> vector<1000x128xf32>
    %get3A_9 = arith.constant 0 : index
    %get3A_10 = arith.constant 0 : index
    %get3A_11 = vector.load %arg5[%get3A_9, %get3A_10] : memref<64x128xf32, #tpu.memory_space<vmem>>, vector<64x128xf32>
    %dot_general3A_12 = arith.constant dense<0.000000e+00> : vector<1000x128xf32>
    %dot_general3A_13 = tpu.matmul %get3A_4, %get3A_11, %dot_general3A_12 {dimension_numbers = #tpu.dot_dimension_numbers<[1], [0], [0], [1], [0, 0, 1, 1], [], []>, transpose_lhs_hint = false} : vector<1000x64xf32>, vector<64x128xf32>, vector<1000x128xf32> -> vector<1000x128xf32>
    %add3A = arith.addf %dot_general3A_8, %dot_general3A_13 : vector<1000x128xf32>
    %swap3A = arith.constant 0 : index
    %swap3A_14 = arith.constant 0 : index
    %swap3A_15 = vector.load %arg8[%swap3A, %swap3A_14] : memref<1000x128xf32, #tpu.memory_space<vmem>>, vector<1000x128xf32>
    tpu.vector_store %arg8[%swap3A, %swap3A_14], %add3A {strides = array<i32>} : memref<1000x128xf32, #tpu.memory_space<vmem>>, vector<1000x128xf32>,
    %get3A_16 = arith.constant 0 : index
    %get3A_17 = arith.constant 0 : index
    %get3A_18 = vector.load %arg4[%get3A_16, %get3A_17] : memref<64x128xf32, #tpu.memory_space<vmem>>, vector<64x128xf32>
    %dot_general3A_19 = arith.constant dense<0.000000e+00> : vector<1000x128xf32>
    %dot_general3A_20 = tpu.matmul %get3A_1, %get3A_18, %dot_general3A_19 {dimension_numbers = #tpu.dot_dimension_numbers<[1], [0], [0], [1], [0, 0, 1, 1], [], []>, transpose_lhs_hint = false} : vector<1000x64xf32>, vector<64x128xf32>, vector<1000x128xf32> -> vector<1000x128xf32>
    %get3A_21 = arith.constant 0 : index
    %get3A_22 = arith.constant 0 : index
    %get3A_23 = vector.load %arg6[%get3A_21, %get3A_22] : memref<64x128xf32, #tpu.memory_space<vmem>>, vector<64x128xf32>
    %dot_general3A_24 = arith.constant dense<0.000000e+00> : vector<1000x128xf32>
    %dot_general3A_25 = tpu.matmul %get3A_4, %get3A_23, %dot_general3A_24 {dimension_numbers = #tpu.dot_dimension_numbers<[1], [0], [0], [1], [0, 0, 1, 1], [], []>, transpose_lhs_hint = false} : vector<1000x64xf32>, vector<64x128xf32>, vector<1000x128xf32> -> vector<1000x128xf32>
    %add3A_26 = arith.addf %dot_general3A_20, %dot_general3A_25 : vector<1000x128xf32>
    %swap3A_27 = arith.constant 0 : index
    %swap3A_28 = arith.constant 0 : index
    %swap3A_29 = vector.load %arg9[%swap3A_27, %swap3A_28] : memref<1000x128xf32, #tpu.memory_space<vmem>>, vector<1000x128xf32>
    tpu.vector_store %arg9[%swap3A_27, %swap3A_28], %add3A_26 {strides = array<i32>} : memref<1000x128xf32, #tpu.memory_space<vmem>>, vector<1000x128xf32>,
    %get3A_30 = arith.constant 0 : index
    %get3A_31 = arith.constant 0 : index
    %get3A_32 = vector.load %arg7[%get3A_30, %get3A_31] : memref<64x64xf32, #tpu.memory_space<vmem>>, vector<64x64xf32>
    %dot_general3A_33 = arith.constant dense<0.000000e+00> : vector<1000x64xf32>
    %dot_general3A_34 = tpu.matmul %get3A_4, %get3A_32, %dot_general3A_33 {dimension_numbers = #tpu.dot_dimension_numbers<[1], [0], [0], [1], [0, 0, 1, 1], [], []>, transpose_lhs_hint = false} : vector<1000x64xf32>, vector<64x64xf32>, vector<1000x64xf32> -> vector<1000x64xf32>
    %reduce_sum3A = arith.constant dense<0.000000e+00> : vector<1000xf32>
    %reduce_sum3A_35 = vector.multi_reduction <add>, %dot_general3A_34, %reduce_sum3A [1] : vector<1000x64xf32> to vector<1000xf32>
    %broadcast_in_dim3A = vector.shape_cast %reduce_sum3A_35 : vector<1000xf32> to vector<1000x1xf32>
    %broadcast_in_dim3A_36 = vector.shape_cast %broadcast_in_dim3A : vector<1000x1xf32> to vector<1000x1xf32>
    %broadcast_in_dim3A_37 = vector.broadcast %broadcast_in_dim3A_36 : vector<1000x1xf32> to vector<1000x16xf32>
    %broadcast_in_dim3A_38 = arith.constant 0.000000e+00 : f32
    %broadcast_in_dim3A_39 = vector.broadcast %broadcast_in_dim3A_38 : f32 to vector<1000x48xf32>
    %concatenate3A = tpu.concatenate %dot_general3A_34, %broadcast_in_dim3A_37, %broadcast_in_dim3A_39 in 1 : vector<1000x64xf32>, vector<1000x16xf32>, vector<1000x48xf32> -> vector<1000x128xf32>
    %swap3A_40 = arith.constant 0 : index
    %swap3A_41 = arith.constant 0 : index
    %swap3A_42 = vector.load %arg10[%swap3A_40, %swap3A_41] : memref<1000x128xf32, #tpu.memory_space<vmem>>, vector<1000x128xf32>
    tpu.vector_store %arg10[%swap3A_40, %swap3A_41], %concatenate3A {strides = array<i32>} : memref<1000x128xf32, #tpu.memory_space<vmem>>, vector<1000x128xf32>,
    return
  }
  func.func @transform_0(%arg0: i32) -> (i32, i32) {
    %c0_i32 = arith.constant 0 : i32
    %c0_i32_0 = arith.constant 0 : i32
    return %arg0, %c0_i32 : i32, i32
  }
  func.func @transform_1(%arg0: i32) -> (i32, i32) {
    %c0_i32 = arith.constant 0 : i32
    %c0_i32_0 = arith.constant 0 : i32
    return %arg0, %c0_i32 : i32, i32
  }
  func.func @transform_2(%arg0: i32) -> (i32, i32) {
    %c0_i32 = arith.constant 0 : i32
    %c0_i32_0 = arith.constant 0 : i32
    %c0_i32_1 = arith.constant 0 : i32
    return %c0_i32, %c0_i32_0 : i32, i32
  }
  func.func @transform_3(%arg0: i32) -> (i32, i32) {
    %c0_i32 = arith.constant 0 : i32
    %c0_i32_0 = arith.constant 0 : i32
    %c0_i32_1 = arith.constant 0 : i32
    return %c0_i32, %c0_i32_0 : i32, i32
  }
  func.func @transform_4(%arg0: i32) -> (i32, i32) {
    %c0_i32 = arith.constant 0 : i32
    %c0_i32_0 = arith.constant 0 : i32
    %c0_i32_1 = arith.constant 0 : i32
    return %c0_i32, %c0_i32_0 : i32, i32
  }
  func.func @transform_5(%arg0: i32) -> (i32, i32) {
    %c0_i32 = arith.constant 0 : i32
    %c0_i32_0 = arith.constant 0 : i32
    %c0_i32_1 = arith.constant 0 : i32
    return %c0_i32, %c0_i32_0 : i32, i32
  }
  func.func @transform_6(%arg0: i32) -> (i32, i32) {
    %c0_i32 = arith.constant 0 : i32
    %c0_i32_0 = arith.constant 0 : i32
    %c0_i32_1 = arith.constant 0 : i32
    return %c0_i32, %c0_i32_0 : i32, i32
  }
  func.func @transform_7(%arg0: i32) -> (i32, i32) {
    %c0_i32 = arith.constant 0 : i32
    %c0_i32_0 = arith.constant 0 : i32
    return %arg0, %c0_i32 : i32, i32
  }
  func.func @transform_8(%arg0: i32) -> (i32, i32) {
    %c0_i32 = arith.constant 0 : i32
    %c0_i32_0 = arith.constant 0 : i32
    return %arg0, %c0_i32 : i32, i32
  }
  func.func @transform_9(%arg0: i32) -> (i32, i32) {
    %c0_i32 = arith.constant 0 : i32
    %c0_i32_0 = arith.constant 0 : i32
    return %arg0, %c0_i32 : i32, i32
  }
}

module attributes {stable_mosaic.version = 14 : i64} {
  func.func @_tc_mlp(%arg0: i32, %arg1: memref<1024x128xf32, #tpu.memory_space<vmem>>, %arg2: memref<1024x16xf32, #tpu.memory_space<vmem>>, %arg3: memref<16x128xf32, #tpu.memory_space<vmem>>, %arg4: memref<1x128xf32, #tpu.memory_space<vmem>>, %arg5: memref<128x64xf32, #tpu.memory_space<vmem>>, %arg6: memref<1x64xf32, #tpu.memory_space<vmem>>, %arg7: memref<1024x128xf32, #tpu.memory_space<vmem>>) attributes {dimension_semantics = [#tpu.dimension_semantics<arbitrary>], iteration_bounds = array<i64: 320>, scalar_prefetch = 0 : i64, scratch_operands = 0 : i64, tpu.core_type = #tpu.core_type<tc>, window_params = [{transform_indices = @transform_0, window_bounds = array<i64: 1024, 128>}, {transform_indices = @transform_1, window_bounds = array<i64: 1024, 16>}, {pipeline_mode = #tpu.pipeline_mode<synchronous>, transform_indices = @transform_2, window_bounds = array<i64: 16, 128>}, {pipeline_mode = #tpu.pipeline_mode<synchronous>, transform_indices = @transform_3, window_bounds = array<i64: 1, 128>}, {pipeline_mode = #tpu.pipeline_mode<synchronous>, transform_indices = @transform_4, window_bounds = array<i64: 128, 64>}, {pipeline_mode = #tpu.pipeline_mode<synchronous>, transform_indices = @transform_5, window_bounds = array<i64: 1, 64>}, {transform_indices = @transform_6, window_bounds = array<i64: 1024, 128>}]} {
    %get3A = arith.constant 0 : index
    %get3A_0 = arith.constant 0 : index
    %get3A_1 = vector.load %arg2[%get3A, %get3A_0] : memref<1024x16xf32, #tpu.memory_space<vmem>>, vector<1024x16xf32>
    %get3A_2 = arith.constant 0 : index
    %get3A_3 = arith.constant 0 : index
    %get3A_4 = vector.load %arg3[%get3A_2, %get3A_3] : memref<16x128xf32, #tpu.memory_space<vmem>>, vector<16x128xf32>
    %dot_general3A = arith.constant dense<0.000000e+00> : vector<1024x128xf32>
    %dot_general3A_5 = tpu.matmul %get3A_1, %get3A_4, %dot_general3A {dimension_numbers = #tpu.dot_dimension_numbers<[1], [0], [0], [1], [0, 0, 1, 1], [], []>, transpose_lhs_hint = false} : vector<1024x16xf32>, vector<16x128xf32>, vector<1024x128xf32> -> vector<1024x128xf32>
    %get3A_6 = arith.constant 0 : index
    %get3A_7 = arith.constant 0 : index
    %get3A_8 = vector.load %arg1[%get3A_6, %get3A_7] : memref<1024x128xf32, #tpu.memory_space<vmem>>, vector<1024x128xf32>
    %add3A = arith.addf %get3A_8, %dot_general3A_5 : vector<1024x128xf32>
    %get3A_9 = arith.constant 0 : index
    %get3A_10 = arith.constant 0 : index
    %get3A_11 = vector.load %arg4[%get3A_9, %get3A_10] : memref<1x128xf32, #tpu.memory_space<vmem>>, vector<1x128xf32>
    %add3A_12 = vector.broadcast %get3A_11 : vector<1x128xf32> to vector<1024x128xf32>
    %add3A_13 = arith.addf %add3A, %add3A_12 : vector<1024x128xf32>
    %max3A = arith.constant 0.000000e+00 : f32
    %max3A_14 = vector.broadcast %max3A : f32 to vector<1024x128xf32>
    %max3A_15 = arith.maximumf %add3A_13, %max3A_14 : vector<1024x128xf32>
    %get3A_16 = arith.constant 0 : index
    %get3A_17 = arith.constant 0 : index
    %get3A_18 = vector.load %arg5[%get3A_16, %get3A_17] : memref<128x64xf32, #tpu.memory_space<vmem>>, vector<128x64xf32>
    %dot_general3A_19 = arith.constant dense<0.000000e+00> : vector<1024x64xf32>
    %dot_general3A_20 = tpu.matmul %max3A_15, %get3A_18, %dot_general3A_19 {dimension_numbers = #tpu.dot_dimension_numbers<[1], [0], [0], [1], [0, 0, 1, 1], [], []>, transpose_lhs_hint = false} : vector<1024x128xf32>, vector<128x64xf32>, vector<1024x64xf32> -> vector<1024x64xf32>
    %get3A_21 = arith.constant 0 : index
    %get3A_22 = arith.constant 0 : index
    %get3A_23 = vector.load %arg6[%get3A_21, %get3A_22] : memref<1x64xf32, #tpu.memory_space<vmem>>, vector<1x64xf32>
    %add3A_24 = vector.broadcast %get3A_23 : vector<1x64xf32> to vector<1024x64xf32>
    %add3A_25 = arith.addf %dot_general3A_20, %add3A_24 : vector<1024x64xf32>
    %mul3A = arith.mulf %add3A_25, %add3A_25 : vector<1024x64xf32>
    %reduce_sum3A = arith.constant dense<0.000000e+00> : vector<1024xf32>
    %reduce_sum3A_26 = vector.multi_reduction <add>, %mul3A, %reduce_sum3A [1] : vector<1024x64xf32> to vector<1024xf32>
    %broadcast_in_dim3A = vector.shape_cast %reduce_sum3A_26 : vector<1024xf32> to vector<1024x1xf32>
    %sqrt3A = math.sqrt %broadcast_in_dim3A : vector<1024x1xf32>
    %div3A = vector.broadcast %sqrt3A : vector<1024x1xf32> to vector<1024x64xf32>
    %div3A_27 = arith.divf %add3A_25, %div3A : vector<1024x64xf32>
    %ne3A = arith.cmpf one, %div3A_27, %div3A_27 : vector<1024x64xf32>
    %jit3A = arith.constant 0.000000e+00 : f32
    %broadcast_in_dim3A_28 = vector.broadcast %jit3A : f32 to vector<1024x64xf32>
    %select_n3A = arith.select %ne3A, %broadcast_in_dim3A_28, %div3A_27 : vector<1024x64xi1>, vector<1024x64xf32>
    %broadcast_in_dim3A_29 = arith.constant 0.000000e+00 : f32
    %broadcast_in_dim3A_30 = vector.broadcast %broadcast_in_dim3A_29 : f32 to vector<1024x64xf32>
    %concatenate3A = tpu.concatenate %select_n3A, %broadcast_in_dim3A_30 in 1 : vector<1024x64xf32>, vector<1024x64xf32> -> vector<1024x128xf32>
    %swap3A = arith.constant 0 : index
    %swap3A_31 = arith.constant 0 : index
    %swap3A_32 = vector.load %arg7[%swap3A, %swap3A_31] : memref<1024x128xf32, #tpu.memory_space<vmem>>, vector<1024x128xf32>
    tpu.vector_store %arg7[%swap3A, %swap3A_31], %concatenate3A {strides = array<i32>} : memref<1024x128xf32, #tpu.memory_space<vmem>>, vector<1024x128xf32>,
    return
  }
  func.func @transform_0(%arg0: i32) -> (i32, i32) {
    %c0_i32 = arith.constant 0 : i32
    %c0_i32_0 = arith.constant 0 : i32
    return %arg0, %c0_i32 : i32, i32
  }
  func.func @transform_1(%arg0: i32) -> (i32, i32) {
    %c0_i32 = arith.constant 0 : i32
    %c0_i32_0 = arith.constant 0 : i32
    return %arg0, %c0_i32 : i32, i32
  }
  func.func @transform_2(%arg0: i32) -> (i32, i32) {
    %c0_i32 = arith.constant 0 : i32
    %c0_i32_0 = arith.constant 0 : i32
    %c0_i32_1 = arith.constant 0 : i32
    return %c0_i32, %c0_i32_0 : i32, i32
  }
  func.func @transform_3(%arg0: i32) -> (i32, i32) {
    %c0_i32 = arith.constant 0 : i32
    %c0_i32_0 = arith.constant 0 : i32
    %c0_i32_1 = arith.constant 0 : i32
    return %c0_i32, %c0_i32_0 : i32, i32
  }
  func.func @transform_4(%arg0: i32) -> (i32, i32) {
    %c0_i32 = arith.constant 0 : i32
    %c0_i32_0 = arith.constant 0 : i32
    %c0_i32_1 = arith.constant 0 : i32
    return %c0_i32, %c0_i32_0 : i32, i32
  }
  func.func @transform_5(%arg0: i32) -> (i32, i32) {
    %c0_i32 = arith.constant 0 : i32
    %c0_i32_0 = arith.constant 0 : i32
    %c0_i32_1 = arith.constant 0 : i32
    return %c0_i32, %c0_i32_0 : i32, i32
  }
  func.func @transform_6(%arg0: i32) -> (i32, i32) {
    %c0_i32 = arith.constant 0 : i32
    %c0_i32_0 = arith.constant 0 : i32
    return %arg0, %c0_i32 : i32, i32
  }
}

module attributes {stable_mosaic.version = 14 : i64} {
  func.func @_tc_update(%arg0: i32, %arg1: memref<1000x128xf32, #tpu.memory_space<vmem>>, %arg2: memref<2x1000x64xf32, #tpu.memory_space<vmem>>, %arg3: memref<64x64xf32, #tpu.memory_space<vmem>>, %arg4: memref<1000x128xf32, #tpu.memory_space<vmem>>, %arg5: memref<1000x64xf32, #tpu.memory_space<vmem>>) attributes {dimension_semantics = [#tpu.dimension_semantics<arbitrary>], iteration_bounds = array<i64: 10>, scalar_prefetch = 0 : i64, scratch_operands = 0 : i64, tpu.core_type = #tpu.core_type<tc>, window_params = [{transform_indices = @transform_0, window_bounds = array<i64: 1000, 128>}, {transform_indices = @transform_1, window_bounds = array<i64: 2, 1000, 64>}, {pipeline_mode = #tpu.pipeline_mode<synchronous>, transform_indices = @transform_2, window_bounds = array<i64: 64, 64>}, {transform_indices = @transform_3, window_bounds = array<i64: 1000, 128>}, {transform_indices = @transform_4, window_bounds = array<i64: 1000, 64>}]} {
    %get3A = arith.constant 0 : index
    %get3A_0 = arith.constant 0 : index
    %get3A_1 = arith.constant 0 : index
    %get3A_2 = vector.load %arg2[%get3A, %get3A_0, %get3A_1] : memref<2x1000x64xf32, #tpu.memory_space<vmem>>, vector<1x1000x64xf32>
    %get3A_3 = vector.shape_cast %get3A_2 : vector<1x1000x64xf32> to vector<1000x64xf32>
    %get3A_4 = arith.constant 1 : index
    %get3A_5 = arith.constant 0 : index
    %get3A_6 = arith.constant 0 : index
    %get3A_7 = vector.load %arg2[%get3A_4, %get3A_5, %get3A_6] : memref<2x1000x64xf32, #tpu.memory_space<vmem>>, vector<1x1000x64xf32>
    %get3A_8 = vector.shape_cast %get3A_7 : vector<1x1000x64xf32> to vector<1000x64xf32>
    %add3A = arith.addf %get3A_3, %get3A_8 : vector<1000x64xf32>
    %get3A_9 = arith.constant 0 : index
    %get3A_10 = arith.constant 0 : index
    %get3A_11 = vector.load %arg1[%get3A_9, %get3A_10] : memref<1000x128xf32, #tpu.memory_space<vmem>>, vector<1000x64xf32>
    %get3A_12 = arith.constant 0 : index
    %get3A_13 = arith.constant 0 : index
    %get3A_14 = vector.load %arg3[%get3A_12, %get3A_13] : memref<64x64xf32, #tpu.memory_space<vmem>>, vector<64x64xf32>
    %dot_general3A = arith.constant dense<0.000000e+00> : vector<1000x64xf32>
    %dot_general3A_15 = tpu.matmul %add3A, %get3A_14, %dot_general3A {dimension_numbers = #tpu.dot_dimension_numbers<[1], [0], [0], [1], [0, 0, 1, 1], [], []>, transpose_lhs_hint = false} : vector<1000x64xf32>, vector<64x64xf32>, vector<1000x64xf32> -> vector<1000x64xf32>
    %add3A_16 = arith.addf %get3A_11, %dot_general3A_15 : vector<1000x64xf32>
    %reduce_sum3A = arith.constant dense<0.000000e+00> : vector<1000xf32>
    %reduce_sum3A_17 = vector.multi_reduction <add>, %add3A_16, %reduce_sum3A [1] : vector<1000x64xf32> to vector<1000xf32>
    %broadcast_in_dim3A = vector.shape_cast %reduce_sum3A_17 : vector<1000xf32> to vector<1000x1xf32>
    %broadcast_in_dim3A_18 = vector.shape_cast %broadcast_in_dim3A : vector<1000x1xf32> to vector<1000x1xf32>
    %broadcast_in_dim3A_19 = vector.broadcast %broadcast_in_dim3A_18 : vector<1000x1xf32> to vector<1000x16xf32>
    %broadcast_in_dim3A_20 = arith.constant 0.000000e+00 : f32
    %broadcast_in_dim3A_21 = vector.broadcast %broadcast_in_dim3A_20 : f32 to vector<1000x48xf32>
    %concatenate3A = tpu.concatenate %add3A_16, %broadcast_in_dim3A_19, %broadcast_in_dim3A_21 in 1 : vector<1000x64xf32>, vector<1000x16xf32>, vector<1000x48xf32> -> vector<1000x128xf32>
    %swap3A = arith.constant 0 : index
    %swap3A_22 = arith.constant 0 : index
    %swap3A_23 = vector.load %arg4[%swap3A, %swap3A_22] : memref<1000x128xf32, #tpu.memory_space<vmem>>, vector<1000x128xf32>
    tpu.vector_store %arg4[%swap3A, %swap3A_22], %concatenate3A {strides = array<i32>} : memref<1000x128xf32, #tpu.memory_space<vmem>>, vector<1000x128xf32>,
    %swap3A_24 = arith.constant 0 : index
    %swap3A_25 = arith.constant 0 : index
    %swap3A_26 = vector.load %arg5[%swap3A_24, %swap3A_25] : memref<1000x64xf32, #tpu.memory_space<vmem>>, vector<1000x64xf32>
    tpu.vector_store %arg5[%swap3A_24, %swap3A_25], %add3A_16 {strides = array<i32>} : memref<1000x64xf32, #tpu.memory_space<vmem>>, vector<1000x64xf32>,
    return
  }
  func.func @transform_0(%arg0: i32) -> (i32, i32) {
    %c0_i32 = arith.constant 0 : i32
    %c0_i32_0 = arith.constant 0 : i32
    return %arg0, %c0_i32 : i32, i32
  }
  func.func @transform_1(%arg0: i32) -> (i32, i32, i32) {
    %c0_i32 = arith.constant 0 : i32
    %c0_i32_0 = arith.constant 0 : i32
    %c0_i32_1 = arith.constant 0 : i32
    return %c0_i32, %arg0, %c0_i32_0 : i32, i32, i32
  }
  func.func @transform_2(%arg0: i32) -> (i32, i32) {
    %c0_i32 = arith.constant 0 : i32
    %c0_i32_0 = arith.constant 0 : i32
    %c0_i32_1 = arith.constant 0 : i32
    return %c0_i32, %c0_i32_0 : i32, i32
  }
  func.func @transform_3(%arg0: i32) -> (i32, i32) {
    %c0_i32 = arith.constant 0 : i32
    %c0_i32_0 = arith.constant 0 : i32
    return %arg0, %c0_i32 : i32, i32
  }
  func.func @transform_4(%arg0: i32) -> (i32, i32) {
    %c0_i32 = arith.constant 0 : i32
    %c0_i32_0 = arith.constant 0 : i32
    return %arg0, %c0_i32 : i32, i32
  }
}

</mosaic_0001>

<sc_bundles>
// kernel: closed_call.18.cloned.1.call-start
scs
__scs_entry_jumppad:
0x0: {  	(pc) =	sbr.rel $0x88, $3  }
0x1: {  	(tag) =	ssettag $0x0;
	lr =	simm.s32 $0x1  }
0x2: {  	[smem:$0x3F96] =	sst lr;
	_ =	strace $0xD0000000  }
0x3: {  	_ = 	snop  }
0x4: {  	_ = 	snop  }
0x5: {  	_ = 	snop  }
0x6: {  	_ = 	snop  }
0x7: {  	_ = 	snop  }
__scs_overlays_trampoline_lowered:
0x8: {  	[smem:$0x3FA5] =	sst s0  }
0x9: {  	[smem:$0x3FA6] =	sst s1  }
0xa: {  	[smem:$0x3FA7] =	sst s2  }
0xb: {  	[smem:$0x3FA8] =	sst s3  }
0xc: {  	[smem:$0x3FA9] =	sst s4  }
0xd: {  	[smem:$0x3FAA] =	sst s5  }
0xe: {  	[smem:$0x3FAB] =	sst s6  }
0xf: {  	[smem:$0x3FAC] =	sst s7  }
0x10: {  	[smem:$0x3FAD] =	sst s8  }
0x11: {  	[smem:$0x3FAE] =	sst s9;
	s0 =	simm.s32 @!p0 $0x0  }
0x12: {  	s1 =	sld [smem:$0x3F94];
	s0 =	simm.s32 @p0 $0x1  }
0x13: {  	[smem:$0x3FAF] =	sst s0;
	s0 =	simm.s32 @!p1 $0x0  }
0x14: {  	s2 =	sld [smem:$0x3F93];
	s0 =	simm.s32 @p1 $0x1  }
0x15: {  	[smem:$0x3FB0] =	sst s0;
	s0 =	simm.s32 @!p2 $0x0  }
0x16: {  	s3 =	sld [smem:$0x3FDB];
	s0 =	simm.s32 @p2 $0x1  }
0x17: {  	s4 =	simm.s32 $0x1BF5;
	[smem:$0x3FB2] =	sst s0  }
0x18: {  	s0 =	sld [smem:$0x3F95];
	_ =	swait.ge [sflag:s4], $0x0  }
0x19: {  	s7 =	sld [smem:$0x3F96]  }
0x1a: {  	s8 =	sadd.s32 $0xFFFFE003, lr  }
0x1b: {  	s9 =	sadd.s32 $0xFFFFFEF7, lr;
	s5 =	simm.s32 $0xFFFFFFFF;
	p2 =	slt.u32 s8, $0xFFFFF086  }
0x1c: {  	p1 =	slt.u32 s9, $0xF7A;
	s5 =	simm.s32 @!p2 $0x0  }
0x1d: {  	s5 =	simm.s32 @p1 $0x1;
	p0 =	seq.s32 s7, s2  }
0x1e: {  	s7 =	smul.u32 @!p0 $0xF7A, s2;
	p2 =	seq.s32 @!p0 s5, $0x0  }
0x1f: {  	s9 =	smul.u32 $0xF7A, s1;
	s8 =	simm.s32 @!p0 $0x1BF5;
	p2 =	por !p2, p0  }
0x20: {  	[sflag:s8] =	ssyncset.s32 @!p0 $0xFFFFF086;
	s6 =	sadd.s32 @!p0 s3, s7;
	s7 =	simm.s32 @!p0 $0x108  }
0x21: {  	s3 =	sadd.s32 s3, s9;
	s6 =	sadd.s32 @!p0 $0x88, s6;
	s7 =	simm.s32 @p2 $0x1082  }
0x22: {  	[simem:s7], [sflag:s8] =	dma.local @!p0 [hbm:s6], $0xF7A  }
0x23: {  	s9 =	sor.u32 $0xD0000000, s2;
	s6 =	simm.s32 $0x108;
	_ =	swait.ge @!p0 [sflag:s8], $0x0  }
0x24: {  	s3 =	sadd.s32 $0x88, s3;
	s6 =	simm.s32 @!p1 $0x1082;
	[sflag:s4] =	ssyncset.s32 $0xFFFFF086  }
0x25: {  	[simem:s6], [sflag:s4] =	dma.local [hbm:s3], $0xF7A  }
0x26: {  	[smem:$0x3F96] =	sst s1;
	(tag) =	ssettag s2;
	_ =	strace s9  }
0x27: {  	s1 =	sld [smem:$0x3FA6]  }
0x28: {  	s2 =	sld [smem:$0x3FA7]  }
0x29: {  	s4 =	sld [smem:$0x3FA9]  }
0x2a: {  	p0 =	seq.s32 s5, $0x0;
	s5 =	sld [smem:$0x3FAA]  }
0x2b: {  	s6 =	sld [smem:$0x3FAB]  }
0x2c: {  	s7 =	sld [smem:$0x3FAC]  }
0x2d: {  	s3 =	simm.s32 $0x108;
	s8 =	sld [smem:$0x3FAD]  }
0x2e: {  	s3 =	simm.s32 @!p0 $0x1082;
	s9 =	sld [smem:$0x3FAE]  }
0x2f: {  	lr =	sadd.s32 s0, s3;
	s0 =	sld [smem:$0x3FA5]  }
0x30: {  	s3 =	sld [smem:$0x3FA8]  }
0x31: {  	[smem:$0x3FB1] =	sst s10  }
0x32: {  	s10 =	sld [smem:$0x3FAF];
	_ =	sdelay $0x3  }
0x33: {  	p0 =	seq.s32 s10, $0x1;
	s10 =	sld [smem:$0x3FB1];
	_ =	sdelay $0x3  }
0x34: {  	[smem:$0x3FB1] =	sst s10  }
0x35: {  	s10 =	sld [smem:$0x3FB0];
	_ =	sdelay $0x3  }
0x36: {  	p1 =	seq.s32 s10, $0x1;
	s10 =	sld [smem:$0x3FB1];
	_ =	sdelay $0x3  }
0x37: {  	[smem:$0x3FB1] =	sst s10  }
0x38: {  	s10 =	sld [smem:$0x3FB2]  }
0x39: {  	_ = 	snop;
	(pc) =	sbr.ind lr, $3  }
0x3a: {  	_ = 	snop  }
0x3b: {  	_ = 	snop  }
0x3c: {  	p2 =	seq.s32 s10, $0x1;
	s10 =	sld [smem:$0x3FB1]  }
0x3d: {  	_ =	shalt  }
0x3e: {  	_ =	shalt  }
0x3f: {  	_ =	shalt  }
0x40: {  	_ =	shalt  }
0x41: {  	_ =	shalt  }
0x42: {  	_ =	shalt  }
0x43: {  	_ =	shalt  }
0x44: {  	_ =	shalt  }
0x45: {  	_ =	shalt  }
0x46: {  	_ =	shalt  }
0x47: {  	_ =	shalt  }
0x48: {  	_ =	shalt  }
0x49: {  	_ =	shalt  }
0x4a: {  	_ =	shalt  }
0x4b: {  	_ =	shalt  }
0x4c: {  	_ =	shalt  }
0x4d: {  	_ =	shalt  }
0x4e: {  	_ =	shalt  }
0x4f: {  	_ =	shalt  }
0x50: {  	_ =	shalt  }
0x51: {  	_ =	shalt  }
0x52: {  	_ =	shalt  }
0x53: {  	_ =	shalt  }
0x54: {  	_ =	shalt  }
0x55: {  	_ =	shalt  }
0x56: {  	_ =	shalt  }
0x57: {  	_ =	shalt  }
0x58: {  	_ =	shalt  }
0x59: {  	_ =	shalt  }
0x5a: {  	_ =	shalt  }
0x5b: {  	_ =	shalt  }
0x5c: {  	_ =	shalt  }
0x5d: {  	_ =	shalt  }
0x5e: {  	_ =	shalt  }
0x5f: {  	_ =	shalt  }
0x60: {  	_ =	shalt  }
0x61: {  	_ =	shalt  }
0x62: {  	_ =	shalt  }
0x63: {  	_ =	shalt  }
0x64: {  	_ =	shalt  }
0x65: {  	_ =	shalt  }
0x66: {  	_ =	shalt  }
0x67: {  	_ =	shalt  }
0x68: {  	_ =	shalt  }
0x69: {  	_ =	shalt  }
0x6a: {  	_ =	shalt  }
0x6b: {  	_ =	shalt  }
0x6c: {  	_ =	shalt  }
0x6d: {  	_ =	shalt  }
0x6e: {  	_ =	shalt  }
0x6f: {  	_ =	shalt  }
0x70: {  	_ =	shalt  }
0x71: {  	_ =	shalt  }
0x72: {  	_ =	shalt  }
0x73: {  	_ =	shalt  }
0x74: {  	_ =	shalt  }
0x75: {  	_ =	shalt  }
0x76: {  	_ =	shalt  }
0x77: {  	_ =	shalt  }
0x78: {  	_ =	shalt  }
0x79: {  	_ =	shalt  }
0x7a: {  	_ =	shalt  }
0x7b: {  	_ =	shalt  }
0x7c: {  	_ =	shalt  }
0x7d: {  	_ =	shalt  }
0x7e: {  	_ =	shalt  }
0x7f: {  	_ =	shalt  }
0x80: {  	_ =	shalt  }
0x81: {  	_ =	shalt  }
0x82: {  	_ =	shalt  }
0x83: {  	_ =	shalt  }
0x84: {  	_ =	shalt  }
0x85: {  	_ =	shalt  }
0x86: {  	_ =	shalt  }
0x87: {  	_ =	shalt  }
.Lfunc_end0:
.L_simem_size_0:
called_computation_lowered:
.L_overlay_start_0:
0x88: {  	s2 =	sld [smem:$0x3FD9]  }
0x89: {  	s3 =	sld [smem:$0x3FFE];
	_ =	sdelay $0x1  }
0x8a: {  	s1 =	srdreg.scid  }
0x8b: {  	s0 =	sand.u32 $0x1, s1  }
0x8c: {  	s17 =	sshll.u32 s0, $0xA;
	s2 =	sadd.s32 s3, s2  }
0x8d: {  	s2 =	sadd.s32 s2, s17  }
0x8e: {  	[smem:$0x3FBD] =	sst s2  }
0x8f: {  	_ = 	snop  }
0x90: {  	s2 =	sld [smem:$0x3FD0];
	(tm) =	ssettm $0x1  }
0x91: {  	s18 =	sld [smem:$0x3FFB];
	_ =	sdelay $0x3  }
0x92: {  	_ =	strace s18  }
0x93: {  	s3 =	sld [smem:$0x3FFC];
	_ =	sdelay $0x3  }
0x94: {  	_ =	strace s3  }
0x95: {  	s3 =	sld [smem:$0x3FFD];
	_ =	sdelay $0x3  }
0x96: {  	_ =	strace s3  }
0x97: {  	_ =	strace $0x8FFFFFFF  }
0x98: {  	s19 =	sld [smem:$0x3FDB];
	_ =	sdelay $0x1  }
0x99: {  	s4 =	simm.s32 $_scs_section_size  }
0x9a: {  	s5 =	simm.s32 $_size__tile_overlayer_lowered;
	s6 =	simm.s32 $_tile_overlayer_lowered  }
0x9b: {  	s22 =	simm.s32 $0x1BFF;
	s21 =	sshll.u32 s6, $0x1;
	s3 =	sadd.s32 s4, s19  }
0x9c: {  	s7 =	simm.s32 $0x0;
	s20 =	sshll.u32 s5, $0x1;
	s5 =	sadd.s32 s21, s3  }
0x9d: {  	[timem:s7], [sflag:s22] =	dma.local [hbm:s5], s20  }
0x9e: {  	_ =	swait.ge [sflag:s22], s20  }
0x9f: {  	s4 =	ssub.s32 $0x0, s20;
	[sflag:s22] =	ssyncset.done $0x0  }
0xa0: {  	[sflag:s22] =	ssyncadd.s32 s4;
	_ =	sdelay $0x1  }
0xa1: {  	s23 =	simm.s32 $0x1B8B  }
0xa2: {  	_ =	swait.ge [sflag:s23], $0x1  }
0xa3: {  	[sflag:s23] =	ssyncset.done $0x0  }
0xa4: {  	s25 =	simm.s32 $0x1B8E;
	s24 =	sld [smem:$0x3FFE];
	[sflag:s23] =	ssyncadd.s32 $0xFFFFFFFF  }
0xa5: {  	s26 =	simm.s32 $execute0_lowered;
	[smem:$0x3FD2] =	sst s25  }
0xa6: {  	s5 =	sshll.u32 s26, $0x1;
	_ =	strace $0x80000049;
	[dreg:$0x1] =	wrdreg $0xFFFFFFFF  }
0xa7: {  	s28 =	simm.s32 $_size_execute0_lowered;
	s3 =	sadd.s32 s3, s5;
	[dreg:$0x0] =	wrdreg $0x0  }
0xa8: {  	s5 =	sshll.u32 s28, $0x1;
	[dreg:$0x2] =	wrdreg s3  }
0xa9: {  	[dreg:$0x3] =	wrdreg s5  }
0xaa: {  	[dreg:$0x4] =	wrdreg $0xC0  }
0xab: {  	_ =	task [dreg:s7], $0x5FFFF  }
0xac: {  	[dreg:$0x1] =	wrdreg $0xFFFFFFFF  }
0xad: {  	[dreg:$0x0] =	wrdreg $0x60  }
0xae: {  	[dreg:$0x2] =	wrdreg s2  }
0xaf: {  	[dreg:$0x3] =	wrdreg s24  }
0xb0: {  	[dreg:$0x4] =	wrdreg $0x142000  }
0xb1: {  	[dreg:$0x5] =	wrdreg $0x9  }
0xb2: {  	_ =	task.clear_ibuf [dreg:s7], $0x6FFFF;
	_ =	strace $0x90000049  }
0xb3: {  	s29 =	simm.s32 $0x9;
	_ =	strace $0x8000004B  }
0xb4: {  	_ =	swait.ge [sflag:s29], $0x1  }
0xb5: {  	[sflag:s29] =	ssyncadd.s32 $0xFFFFFFFF  }
0xb6: {  	_ =	strace $0x9000004B  }
0xb7: {  	_ =	sfence  }
0xb8: {  	s30 =	sld [smem:$0x0];
	_ =	sdelay $0x2  }
0xb9: {  	s31 =	sshll.u32 s1, $0xD;
	s1 =	sshrl.u32 s1, $0x2  }
0xba: {  	s3 =	sand.u32 $0x4000, s31;
	s1 =	sadd.s32 s1, s30  }
0xbb: {  	s0 =	sor.u32 s3, s0;
	s1 =	sshll.u32 s1, $0x11  }
0xbc: {  	s0 =	sor.u32 s1, s0  }
0xbd: {  	s0 =	sadd.s32 $0x8F2B, s0  }
0xbe: {  	[sflag:s0] =	ssyncadd.remote.s32 $0x1  }
0xbf: {  	_ =	sfence.sel $0xFFFF  }
0xc0: {  	[dreg:$0x0] =	wrdreg $0xFFFFFFFF;
	(pc) =	sbr.abs _section_cstart, $3  }
0xc1: {  	[dreg:$0x1] =	wrdreg $0xFFFFFFFF  }
0xc2: {  	_ =	task.clear_ibuf [dreg:s7], $0x2FFFF;
	_ =	strace $0x9FFFFFFF  }
0xc3: {  	(tm) =	ssettm $0x7FFFFFFF  }
tec
execute0_lowered:
.L_overlay_start_1:
0x0: {  	(tag) =	ssettag $0x1  }
0x1: {  	s1 =	rddreg [dreg:$0x0]  }
0x2: {  	s0 =	rddreg [dreg:$0x1]  }
0x3: {  	s2 =	rddreg [dreg:$0x2]  }
0x4: {  	s3 =	simm.s32 $0x0;
	s7 =	srdreg.scid;
	s11 =	stileid.u32  }
0x5: {  	s20 =	simm.s32 $0x4100;
	s21 =	simm.s32 $0x8100;
	s22 =	simm.s32 $0x1  }
0x6: {  	s23 =	simm.s32 $0x2;
	s28 =	simm.s32 $0x10100;
	s29 =	simm.s32 $0x0  }
0x7: {  	[smem:$0x7FF] =	sst s3;
	s4 =	sadd.s32 $0x3200, s0;
	s5 =	sadd.s32 $0x34400, s0  }
0x8: {  	s6 =	sadd.s32 $0xF8C000, s0;
	s10 =	sadd.s32 $0x5B600, s0;
	s9 =	sand.u32 $0x1, s7  }
0x9: {  	s8 =	sshll.u32 s11, $0x1;
	s12 =	smul.u32 $0x140, s11;
	s14 =	sadd.s32 $0x5BC00, s0  }
0xa: {  	s0 =	sadd.s32 $0x5B871, s0;
	p0 =	sne.s32 s11, $0x0;
	_ =	strace $0x8000004A  }
0xb: {  	s7 =	ssub.s32 $0x2, s9;
	s8 =	sor.u32 s9, s8;
	s19 =	smul.u32 $0x1400, s9  }
0xc: {  	[dreg:$0x4] =	wrdreg s0;
	s13 =	sshrl.u32 s7, $0x1;
	s24 =	sshrl.u32 s12, $0x3  }
0xd: {  	s25 =	sadd.s32 $0x80, s12;
	s16 =	sadd.s32 $0xC0, s12;
	s15 =	ssub.s32 s7, s13  }
0xe: {  	s7 =	smul.u32 $0x2800, s8;
	s8 =	sadd.s32 s10, s24;
	s17 =	sshrl.u32 s25, $0x3  }
0xf: {  	s18 =	sshrl.u32 s16, $0x3;
	s26 =	sadd.s32 s12, s19;
	s30 =	sadd.s32 s19, s25  }
0x10: {  	s31 =	sadd.s32 s19, s16;
	s19 =	simm.s32 $0x100;
	s24 =	simm.s32 $0x3  }
0x11: {  	s25 =	simm.s32 $0x14100;
	s9 =	sadd.s32 s10, s17;
	s10 =	sadd.s32 s10, s18  }
0x12: {  	s0 =	sshll.u32 s26, $0x4;
	s12 =	sshll.u32 s30, $0x4;
	s16 =	sshll.u32 s31, $0x4  }
0x13: {  	s15 =	smax.u32 s15, $0x1;
	s17 =	simm.s32 $0x80;
	s18 =	simm.s32 $0xC100  }
0x14: {  	s26 =	simm.s32 $0x14180;
	s0 =	sadd.s32 s14, s0;
	s13 =	sadd.s32 s14, s12  }
0x15: {  	v0 =	vimm.f32 $0.0e+00;
	s14 =	sadd.s32 s14, s16;
	s16 =	simm.s32 $0x4;
	[dreg:$0x5] =	wrdreg s0  }
.LBB2_1:
0x16: {  	s0 =	simm.s32 $0x0;
	s11 =	simm.s32 $0x200  }
.LBB2_2:
0x17: {  	p1 =	sne.s32 s11, $0xFE00;
	[tilespmem:s0+$0x10170] =	vst v0  }
0x18: {  	[tilespmem:s0+$0xC100] =	vst v0  }
0x19: {  	[tilespmem:s0+$0x10100] =	vst v0  }
0x1a: {  	[tilespmem:s0+$0xC110] =	vst v0  }
0x1b: {  	[tilespmem:s0+$0x10110] =	vst v0  }
0x1c: {  	[tilespmem:s0+$0xC120] =	vst v0  }
0x1d: {  	[tilespmem:s0+$0x10120] =	vst v0  }
0x1e: {  	[tilespmem:s0+$0xC130] =	vst v0  }
0x1f: {  	[tilespmem:s0+$0x10130] =	vst v0  }
0x20: {  	[tilespmem:s0+$0xC140] =	vst v0  }
0x21: {  	[tilespmem:s0+$0x10140] =	vst v0  }
.Ltmp0:
0x22: {  	[tilespmem:s0+$0xC150] =	vst v0;
	(pc) =	sbr.rel @p1 .LBB2_2-.Ltmp0, $4  }
0x23: {  	[tilespmem:s0+$0x10150] =	vst v0  }
0x24: {  	[tilespmem:s0+$0xC160] =	vst v0  }
0x25: {  	[tilespmem:s0+$0x10160] =	vst v0  }
0x26: {  	[tilespmem:s0+$0xC170] =	vst v0;
	s0 =	sshra.s32 s11, $0x2;
	s11 =	sadd.s32 $0x200, s11  }
0x27: {  	[tilespmem:s0+$0x10170] =	vst v0  }
0x28: {  	[tilespmem:s0+$0xC100] =	vst v0  }
0x29: {  	[tilespmem:s0+$0x10100] =	vst v0  }
0x2a: {  	[tilespmem:s0+$0xC110] =	vst v0  }
0x2b: {  	[tilespmem:s0+$0x10110] =	vst v0  }
0x2c: {  	[tilespmem:s0+$0xC120] =	vst v0  }
0x2d: {  	[tilespmem:s0+$0x10120] =	vst v0  }
0x2e: {  	[tilespmem:s0+$0xC130] =	vst v0  }
0x2f: {  	[tilespmem:s0+$0x10130] =	vst v0  }
0x30: {  	[tilespmem:s0+$0xC140] =	vst v0  }
0x31: {  	[tilespmem:s0+$0x10140] =	vst v0  }
0x32: {  	[tilespmem:s0+$0xC150] =	vst v0  }
0x33: {  	[tilespmem:s0+$0x10150] =	vst v0  }
0x34: {  	[tilespmem:s0+$0xC160] =	vst v0  }
0x35: {  	[tilespmem:s0+$0x10160] =	vst v0  }
0x36: {  	[tilespmem:s0+$0xC170] =	vst v0  }
0x37: {  	[tilespmem:s3], [sflag:$0x4] =	stream.linear.gather [hbm4b:s8+s3], $0x80, $0x38;
	[tilespmem:$0x1E240] =	vst v63  }
0x38: {  	_ =	swait.ge [sflag:s16], $0x80  }
0x39: {  	[sflag:s16] =	ssyncset.done $0x0  }
0x3a: {  	[sflag:s16] =	ssyncadd.s32 $0xFFFFFF80  }
0x3b: {  	[spmem:s2] =	stream.indirect.scatter [tilespmem:s18], [sflag:$0x4], $0x80, s3, s17, $0xb8;
	[tilespmem:$0x1E240] =	vst v63  }
0x3c: {  	_ =	swait.ge [sflag:s16], $0x4000  }
0x3d: {  	[sflag:s16] =	ssyncset.done $0x0  }
0x3e: {  	[sflag:s16] =	ssyncadd.s32 $0xFFFFC000  }
0x3f: {  	[tilespmem:s3], [sflag:$0x4] =	stream.linear.gather [hbm4b:s9+s3], $0x80, $0x38;
	[tilespmem:$0x1E240] =	vst v63  }
0x40: {  	_ =	swait.ge [sflag:s16], $0x80  }
0x41: {  	[sflag:s16] =	ssyncset.done $0x0  }
0x42: {  	[sflag:s16] =	ssyncadd.s32 $0xFFFFFF80  }
0x43: {  	[spmem:s2] =	stream.indirect.scatter [tilespmem:s18], [sflag:$0x4], $0x80, s3, s17, $0xb8;
	[tilespmem:$0x1E240] =	vst v63  }
0x44: {  	_ =	swait.ge [sflag:s16], $0x4000  }
0x45: {  	[sflag:s16] =	ssyncset.done $0x0  }
0x46: {  	[sflag:s16] =	ssyncadd.s32 $0xFFFFC000  }
0x47: {  	[tilespmem:s3], [sflag:$0x4] =	stream.linear.gather [hbm4b:s10+s3], $0x80, $0x38;
	[tilespmem:$0x1E240] =	vst v63  }
0x48: {  	_ =	swait.ge [sflag:s16], $0x80  }
0x49: {  	[sflag:s16] =	ssyncset.done $0x0  }
0x4a: {  	[sflag:s16] =	ssyncadd.s32 $0xFFFFFF80  }
0x4b: {  	[spmem:s2] =	stream.indirect.scatter [tilespmem:s18], [sflag:$0x4], $0x80, s3, s17, $0xb8;
	[tilespmem:$0x1E240] =	vst v63  }
0x4c: {  	_ =	swait.ge [sflag:s16], $0x4000  }
0x4d: {  	[sflag:s16] =	ssyncset.done $0x0  }
0x4e: {  	s0 =	simm.s32 @!p0 $0x0;
	s11 =	rddreg [dreg:$0x4];
	[sflag:s16] =	ssyncadd.s32 $0xFFFFC000  }
0x4f: {  	[tilespmem:s0], [sflag:$0x4] =	stream.linear.gather @!p0 [hbm4b:s11+s0], $0x80, $0x38;
	[tilespmem:$0x1E240] =	vst v63  }
0x50: {  	s11 =	simm.s32 @!p0 $0x4  }
0x51: {  	_ =	swait.ge @!p0 [sflag:s11], $0x80  }
0x52: {  	[sflag:s11] =	ssyncset.done @!p0 $0x0  }
0x53: {  	s12 =	simm.s32 @!p0 $0x80;
	s30 =	simm.s32 @!p0 $0xC100;
	[sflag:s11] =	ssyncadd.s32 @!p0 $0xFFFFFF80  }
0x54: {  	[spmem:s2] =	stream.indirect.scatter @!p0 [tilespmem:s30], [sflag:$0x4], $0x80, s0, s12, $0xb8;
	[tilespmem:$0x1E240] =	vst v63  }
0x55: {  	_ =	swait.ge @!p0 [sflag:s11], $0x4000  }
0x56: {  	[sflag:s11] =	ssyncset.done @!p0 $0x0  }
0x57: {  	[sflag:s11] =	ssyncadd.s32 @!p0 $0xFFFFC000  }
0x58: {  	s31 =	simm.s32 $0x0;
	s30 =	simm.s32 $0x0;
	[bflag:$0x0] =	sbarrier.arrive $0xFFFF  }
.LBB2_4:
0x59: {  	s0 =	sshll.u32 s31, $0x7  }
0x5a: {  	s0 =	sadd.s32 s7, s0  }
0x5b: {  	s11 =	sshrl.u32 s0, $0x3  }
0x5c: {  	s12 =	sadd.s32 s1, s11  }
0x5d: {  	[tilespmem:s30], [sflag:$0x4] =	stream.linear.gather [hbm4b:s12+s30], $0x80, $0x38;
	[tilespmem:$0x1E240] =	vst v63  }
0x5e: {  	_ =	swait.ge [sflag:s16], $0x80  }
0x5f: {  	[sflag:s16] =	ssyncset.done $0x0  }
0x60: {  	s11 =	sadd.s32 s4, s11;
	[sflag:s16] =	ssyncadd.s32 $0xFFFFFF80  }
0x61: {  	[tilespmem:s17], [sflag:$0x4] =	stream.linear.gather [hbm4b:s11+s30], $0x80, $0x38;
	[tilespmem:$0x1E240] =	vst v63  }
0x62: {  	_ =	swait.ge [sflag:s16], $0x80  }
0x63: {  	[sflag:s16] =	ssyncset.done $0x0  }
0x64: {  	[sflag:s16] =	ssyncadd.s32 $0xFFFFFF80  }
0x65: {  	[tilespmem:s19], [sflag:$0x1] =	stream.indirect.gather [hbm4b:s5+s17], $0x80, s30, s17, $0xb8;
	[tilespmem:$0x1E240] =	vst v63  }
0x66: {  	s0 =	sshll.u32 s0, $0x4  }
0x67: {  	[tilespmem:s20], [sflag:$0x2] =	stream.indirect.gather [hbm4b:s5+s17], $0x80, s17, s17, $0xb8;
	[tilespmem:$0x1E240] =	vst v63  }
0x68: {  	s0 =	sadd.s32 s6, s0  }
0x69: {  	[tilespmem:s21], [sflag:$0x3] =	stream.linear.gather [hbm4b:s0+s30], $0x4000, $0x38;
	[tilespmem:$0x1E240] =	vst v63  }
0x6a: {  	_ =	swait.ge [sflag:s22], $0x4000  }
0x6b: {  	[sflag:s22] =	ssyncset.done $0x0  }
0x6c: {  	[sflag:s22] =	ssyncadd.s32 $0xFFFFC000  }
0x6d: {  	_ =	swait.ge [sflag:s23], $0x4000  }
0x6e: {  	[sflag:s23] =	ssyncset.done $0x0  }
0x6f: {  	[sflag:s23] =	ssyncadd.s32 $0xFFFFC000  }
0x70: {  	_ =	swait.ge [sflag:s24], $0x4000  }
0x71: {  	[sflag:s24] =	ssyncset.done $0x0  }
0x72: {  	s0 =	simm.s32 $0x0;
	[sflag:s24] =	ssyncadd.s32 $0xFFFFC000  }
0x73: {  	v1 =	vld [tilespmem:s0+$0x4130]  }
0x74: {  	v2 =	vld [tilespmem:s0+$0x140]  }
0x75: {  	v3 =	vld [tilespmem:s0+$0x4140]  }
0x76: {  	v4 =	vld [tilespmem:s0+$0x130]  }
0x77: {  	v7 =	vld [tilespmem:s0+$0x4100]  }
0x78: {  	v5 =	vld [tilespmem:s0+$0x8130]  }
0x79: {  	v8 =	vld [tilespmem:s0+$0x100]  }
0x7a: {  	v9 =	vld [tilespmem:s0+$0x4110];
	v2 =	vand.u32 $0x7FFFFFFF, v2;
	v3 =	vand.u32 $0x7FFFFFFF, v3  }
0x7b: {  	v10 =	vld [tilespmem:s0+$0x110];
	v1 =	vsub.f32 v1, v4;
	v2 =	vadd.f32 v3, v2  }
0x7c: {  	v11 =	vld [tilespmem:s0+$0x4120]  }
0x7d: {  	v12 =	vld [tilespmem:s0+$0x120];
	vm0 =	vgt.f32 v2, $0.0e+00;
	v2 =	vmul.f32 v5, v1  }
0x7e: {  	v6 =	vld [tilespmem:s0+$0x8100];
	v1 =	vsel vm0, $0x3F800000, v0  }
0x7f: {  	v5 =	vld [tilespmem:s0+$0x8110];
	v13 =	vmul.f32 v2, v1  }
0x80: {  	s11 =	simm.s32 $0x80;
	v4 =	vld [tilespmem:s0+$0x8120]  }
0x81: {  	v7 =	vsub.f32 v7, v8;
	v2 =	vld [tilespmem:s11+$0x4130];
	[tilespmem:s0+$0x10170] =	vst v13  }
0x82: {  	s12 =	simm.s32 $0x400;
	v8 =	vsub.f32 v9, v10;
	v9 =	vsub.f32 v11, v12;
	v3 =	vld [tilespmem:s11+$0x140];
	[tilespmem:s0+$0xC130] =	vst v13  }
.LBB2_5:
0x83: {  	p1 =	sne.s32 s12, $0xFE00;
	v10 =	vld [tilespmem:s11+$0x4140];
	v6 =	vmul.f32 v6, v7  }
0x84: {  	v7 =	vld [tilespmem:s11+$0x130];
	v5 =	vmul.f32 v5, v8  }
0x85: {  	v8 =	vld [tilespmem:s11+$0x4100];
	v6 =	vmul.f32 v1, v6;
	v4 =	vmul.f32 v4, v9  }
0x86: {  	v9 =	vld [tilespmem:s11+$0x8130];
	v5 =	vmul.f32 v5, v1  }
0x87: {  	v11 =	vld [tilespmem:s11+$0x100];
	[tilespmem:s0+$0xC100] =	vst v6;
	v4 =	vmul.f32 v4, v1  }
0x88: {  	v1 =	vand.u32 $0x7FFFFFFF, v3;
	v3 =	vand.u32 $0x7FFFFFFF, v10;
	v10 =	vld [tilespmem:s11+$0x4110];
	[tilespmem:s0+$0x10140] =	vst v6  }
0x89: {  	v1 =	vadd.f32 v3, v1;
	v3 =	vld [tilespmem:s11+$0x110];
	v2 =	vsub.f32 v2, v7;
	[tilespmem:s0+$0xC110] =	vst v5  }
0x8a: {  	v12 =	vld [tilespmem:s11+$0x4120];
	[tilespmem:s0+$0x10150] =	vst v5  }
0x8b: {  	vm0 =	vgt.f32 v1, $0.0e+00;
	v13 =	vld [tilespmem:s11+$0x120];
	v2 =	vmul.f32 v9, v2;
	[tilespmem:s0+$0xC120] =	vst v4  }
.Ltmp1:
0x8c: {  	v1 =	vsel vm0, $0x3F800000, v0;
	v7 =	vsub.f32 v8, v11;
	v6 =	vld [tilespmem:s11+$0x8100];
	[tilespmem:s0+$0x10160] =	vst v4;
	s0 =	smov.u32 s11;
	(pc) =	sbr.rel @p1 .LBB2_5-.Ltmp1, $4  }
0x8d: {  	v5 =	vld [tilespmem:s0+$0x8110];
	v11 =	vmul.f32 v2, v1  }
0x8e: {  	s11 =	sshra.s32 s12, $0x2;
	v8 =	vsub.f32 v10, v3;
	v4 =	vld [tilespmem:s0+$0x8120]  }
0x8f: {  	v2 =	vld [tilespmem:s11+$0x4130];
	[tilespmem:s0+$0x10170] =	vst v11  }
0x90: {  	s12 =	sadd.s32 $0x200, s12;
	v3 =	vld [tilespmem:s11+$0x140];
	v9 =	vsub.f32 v12, v13;
	[tilespmem:s0+$0xC130] =	vst v11  }
0x91: {  	v10 =	vld [tilespmem:s11+$0x4140];
	v6 =	vmul.f32 v6, v7  }
0x92: {  	v45 =	vld [tilespmem:s11+$0x130]  }
0x93: {  	v11 =	vld [tilespmem:s11+$0x4100];
	v5 =	vmul.f32 v5, v8;
	v6 =	vmul.f32 v1, v6  }
0x94: {  	v12 =	vld [tilespmem:s11+$0x8130]  }
0x95: {  	v13 =	vld [tilespmem:s11+$0x100];
	v4 =	vmul.f32 v4, v9;
	v5 =	vmul.f32 v5, v1;
	[tilespmem:s0+$0xC100] =	vst v6  }
0x96: {  	v46 =	vld [tilespmem:s11+$0x4110];
	[tilespmem:s0+$0x10140] =	vst v6  }
0x97: {  	v1 =	vmul.f32 v4, v1;
	v6 =	vld [tilespmem:s11+$0x110];
	[tilespmem:s0+$0xC110] =	vst v5  }
0x98: {  	v47 =	vld [tilespmem:s11+$0x4120];
	[tilespmem:s0+$0x10150] =	vst v5  }
0x99: {  	v48 =	vld [tilespmem:s11+$0x120];
	[tilespmem:s0+$0xC120] =	vst v1  }
0x9a: {  	v3 =	vand.u32 $0x7FFFFFFF, v3;
	v49 =	vand.u32 $0x7FFFFFFF, v10;
	v50 =	vld [tilespmem:s11+$0x8100]  }
0x9b: {  	v2 =	vsub.f32 v2, v45;
	v3 =	vadd.f32 v49, v3;
	[tilespmem:s0+$0x10160] =	vst v1  }
0x9c: {  	v1 =	vld [tilespmem:s11+$0x8110]  }
0x9d: {  	v2 =	vmul.f32 v12, v2;
	vm0 =	vgt.f32 v3, $0.0e+00;
	v3 =	vsub.f32 v11, v13  }
0x9e: {  	v51 =	vsel vm0, $0x3F800000, v0;
	v52 =	vld [tilespmem:s11+$0x8120]  }
0x9f: {  	v2 =	vmul.f32 v2, v51;
	v6 =	vsub.f32 v46, v6;
	v3 =	vmul.f32 v50, v3;
	_ =	sdelay $0x1  }
0xa0: {  	[tilespmem:s11+$0x10170] =	vst v2;
	v4 =	vsub.f32 v47, v48;
	v1 =	vmul.f32 v1, v6;
	v3 =	vmul.f32 v51, v3  }
0xa1: {  	[tilespmem:s11+$0xC130] =	vst v2  }
0xa2: {  	v2 =	vmul.f32 v52, v4;
	v1 =	vmul.f32 v1, v51;
	[tilespmem:s11+$0xC100] =	vst v3  }
0xa3: {  	[tilespmem:s11+$0x10140] =	vst v3  }
0xa4: {  	v2 =	vmul.f32 v2, v51;
	[tilespmem:s11+$0xC110] =	vst v1  }
0xa5: {  	[tilespmem:s11+$0x10150] =	vst v1  }
0xa6: {  	[tilespmem:s11+$0xC120] =	vst v2  }
0xa7: {  	[tilespmem:s11+$0x10160] =	vst v2  }
0xa8: {  	v1 =	vld [tilespmem:$0x80];
	_ =	sdelay $0x1  }
0xa9: {  	v2 =	vld [tilespmem:$0x90];
	_ =	sdelay $0x1  }
0xaa: {  	v3 =	vld [tilespmem:$0xA0]  }
0xab: {  	v53 =	vand.u32 $0x1, v1  }
0xac: {  	v54 =	vld [tilespmem:$0xB0];
	v1 =	vshrl.u32 v1, $0x1;
	vm8 =	veq.s32 v53, $0x0  }
0xad: {  	v56 =	vand.u32 $0x1, v2;
	v55 =	vnsel vm8, $0x1400, v1  }
0xae: {  	v57 =	vld [tilespmem:$0xC0];
	v2 =	vshrl.u32 v2, $0x1;
	vm9 =	veq.s32 v56, $0x0;
	v1 =	vsel vm8, $0x1400, v1;
	[tilespmem:$0x14100] =	vst v55  }
0xaf: {  	v58 =	vand.u32 $0x1, v3;
	[tilespmem:$0x14180] =	vst v1;
	v1 =	vnsel vm9, $0x1400, v2  }
0xb0: {  	vm10 =	veq.s32 v58, $0x0;
	[tilespmem:$0x14110] =	vst v1;
	v1 =	vsel vm9, $0x1400, v2;
	v2 =	vshrl.u32 v3, $0x1;
	v3 =	vld [tilespmem:$0xD0]  }
0xb1: {  	v59 =	vand.u32 $0x1, v54;
	[tilespmem:$0x14190] =	vst v1;
	v1 =	vnsel vm10, $0x1400, v2  }
0xb2: {  	v60 =	vld [tilespmem:$0xE0];
	vm11 =	veq.s32 v59, $0x0;
	[tilespmem:$0x14120] =	vst v1;
	v1 =	vsel vm10, $0x1400, v2;
	v2 =	vshrl.u32 v54, $0x1  }
0xb3: {  	v61 =	vand.u32 $0x1, v57;
	[tilespmem:$0x141A0] =	vst v1;
	v1 =	vnsel vm11, $0x1400, v2  }
0xb4: {  	v62 =	vld [tilespmem:$0xF0];
	vm12 =	veq.s32 v61, $0x0;
	[tilespmem:$0x14130] =	vst v1;
	v1 =	vsel vm11, $0x1400, v2;
	v2 =	vshrl.u32 v57, $0x1  }
0xb5: {  	[tilespmem:$0x141B0] =	vst v1;
	v1 =	vnsel vm12, $0x1400, v2;
	v63 =	vand.u32 $0x1, v3  }
0xb6: {  	[tilespmem:$0x14140] =	vst v1;
	v1 =	vsel vm12, $0x1400, v2;
	v2 =	vshrl.u32 v3, $0x1;
	vm13 =	veq.s32 v63, $0x0  }
0xb7: {  	v3 =	vand.u32 $0x1, v60;
	[tilespmem:$0x141C0] =	vst v1;
	v1 =	vnsel vm13, $0x1400, v2  }
0xb8: {  	vm14 =	veq.s32 v3, $0x0;
	[tilespmem:$0x14150] =	vst v1;
	v1 =	vsel vm13, $0x1400, v2;
	v2 =	vshrl.u32 v60, $0x1  }
0xb9: {  	v3 =	vand.u32 $0x1, v62;
	[tilespmem:$0x141D0] =	vst v1;
	v1 =	vnsel vm14, $0x1400, v2  }
0xba: {  	vm15 =	veq.s32 v3, $0x0;
	[tilespmem:$0x14160] =	vst v1;
	v1 =	vsel vm14, $0x1400, v2;
	v2 =	vshrl.u32 v62, $0x1  }
0xbb: {  	[tilespmem:$0x141E0] =	vst v1;
	v1 =	vnsel vm15, $0x1400, v2  }
0xbc: {  	[tilespmem:$0x14170] =	vst v1;
	v1 =	vsel vm15, $0x1400, v2  }
0xbd: {  	[tilespmem:$0x141F0] =	vst v1  }
0xbe: {  	[spmem:s2] =	stream.indirect.scatter.add.f32 [tilespmem:s18], [sflag:$0x4], $0x80, s25, s17, $0xb8;
	[tilespmem:$0x1E240] =	vst v63  }
0xbf: {  	s31 =	sadd.s32 $0x1, s31;
	_ =	swait.ge [sflag:s16], $0x4000  }
0xc0: {  	p1 =	sne.s32 s31, $0x50;
	[sflag:s16] =	ssyncset.done $0x0  }
.Ltmp2:
0xc1: {  	[sflag:s16] =	ssyncadd.s32 $0xFFFFC000;
	(pc) =	sbr.rel @p1 .LBB2_4-.Ltmp2, $4  }
0xc2: {  	[spmem:s2] =	stream.indirect.scatter.add.f32 [tilespmem:s28], [sflag:$0x4], $0x80, s26, s17, $0xb8;
	[tilespmem:$0x1E240] =	vst v63  }
0xc3: {  	_ =	swait.ge [sflag:s16], $0x4000  }
0xc4: {  	[sflag:s16] =	ssyncset.done $0x0  }
0xc5: {  	[sflag:s16] =	ssyncadd.s32 $0xFFFFC000  }
0xc6: {  	[bflag:$0x0] =	sbarrier.arrive $0xFFFF  }
0xc7: {  	[tilespmem:s3], [sflag:$0x4] =	stream.linear.gather [hbm4b:s8+s3], $0x80, $0x38;
	[tilespmem:$0x1E240] =	vst v63  }
0xc8: {  	_ =	swait.ge [sflag:s16], $0x80  }
0xc9: {  	[sflag:s16] =	ssyncset.done $0x0  }
0xca: {  	[sflag:s16] =	ssyncadd.s32 $0xFFFFFF80  }
0xcb: {  	[tilespmem:s20], [sflag:$0x4] =	stream.indirect.gather [spmem:s2], $0x80, s3, s17, $0xb8;
	[tilespmem:$0x1E240] =	vst v63  }
0xcc: {  	_ =	swait.ge [sflag:s16], $0x4000  }
0xcd: {  	[sflag:s16] =	ssyncset.done $0x0  }
0xce: {  	s0 =	rddreg [dreg:$0x5];
	[sflag:s16] =	ssyncadd.s32 $0xFFFFC000  }
0xcf: {  	[hbm4b:s0+s3] =	stream.linear.scatter [tilespmem:s20], [sflag:$0x4], $0x4000, $0x38;
	[tilespmem:$0x1E240] =	vst v63  }
0xd0: {  	_ =	swait.ge [sflag:s16], $0x4000  }
0xd1: {  	[sflag:s16] =	ssyncset.done $0x0  }
0xd2: {  	[sflag:s16] =	ssyncadd.s32 $0xFFFFC000  }
0xd3: {  	[tilespmem:s3], [sflag:$0x4] =	stream.linear.gather [hbm4b:s9+s3], $0x80, $0x38;
	[tilespmem:$0x1E240] =	vst v63  }
0xd4: {  	_ =	swait.ge [sflag:s16], $0x80  }
0xd5: {  	[sflag:s16] =	ssyncset.done $0x0  }
0xd6: {  	[sflag:s16] =	ssyncadd.s32 $0xFFFFFF80  }
0xd7: {  	[tilespmem:s20], [sflag:$0x4] =	stream.indirect.gather [spmem:s2], $0x80, s3, s17, $0xb8;
	[tilespmem:$0x1E240] =	vst v63  }
0xd8: {  	_ =	swait.ge [sflag:s16], $0x4000  }
0xd9: {  	[sflag:s16] =	ssyncset.done $0x0  }
0xda: {  	[sflag:s16] =	ssyncadd.s32 $0xFFFFC000  }
0xdb: {  	[hbm4b:s13+s3] =	stream.linear.scatter [tilespmem:s20], [sflag:$0x4], $0x4000, $0x38;
	[tilespmem:$0x1E240] =	vst v63  }
0xdc: {  	_ =	swait.ge [sflag:s16], $0x4000  }
0xdd: {  	[sflag:s16] =	ssyncset.done $0x0  }
0xde: {  	[sflag:s16] =	ssyncadd.s32 $0xFFFFC000  }
0xdf: {  	[tilespmem:s3], [sflag:$0x4] =	stream.linear.gather [hbm4b:s10+s3], $0x80, $0x38;
	[tilespmem:$0x1E240] =	vst v63  }
0xe0: {  	_ =	swait.ge [sflag:s16], $0x80  }
0xe1: {  	[sflag:s16] =	ssyncset.done $0x0  }
0xe2: {  	[sflag:s16] =	ssyncadd.s32 $0xFFFFFF80  }
0xe3: {  	[tilespmem:s20], [sflag:$0x4] =	stream.indirect.gather [spmem:s2], $0x80, s3, s17, $0xb8;
	[tilespmem:$0x1E240] =	vst v63  }
0xe4: {  	s29 =	sadd.s32 $0x1, s29;
	_ =	swait.ge [sflag:s16], $0x4000  }
0xe5: {  	p1 =	sne.s32 s29, s15;
	[sflag:s16] =	ssyncset.done $0x0  }
.Ltmp3:
0xe6: {  	[sflag:s16] =	ssyncadd.s32 $0xFFFFC000;
	(pc) =	sbr.rel @p1 .LBB2_1-.Ltmp3, $4  }
0xe7: {  	[hbm4b:s14+s3] =	stream.linear.scatter [tilespmem:s20], [sflag:$0x4], $0x4000, $0x38;
	[tilespmem:$0x1E240] =	vst v63  }
0xe8: {  	_ =	swait.ge [sflag:s16], $0x4000  }
0xe9: {  	[sflag:s16] =	ssyncset.done $0x0  }
0xea: {  	[sflag:s16] =	ssyncadd.s32 $0xFFFFC000  }
0xeb: {  	_ =	sfence.sel $0x180000  }
0xec: {  	[bflag:$0x0] =	sbarrier.arrive $0xFFFF  }
0xed: {  	_ =	strace $0x9000004A  }
0xee: {  	[bflag:$0x2] =	sbarrier.arrive $0xFFFF  }
0xef: {  	s0 =	rddreg [dreg:$0x3]  }
0xf0: {  	s0 =	sadd.s32 @!p0 $0x100000, s0  }
0xf1: {  	[sflag:s0] =	ssyncadd.tile.s32 @!p0 $0x1;
	_ =	shalt  }
.Lfunc_end2:
_tile_overlayer_lowered:
.L_overlay_start_2:
0xf2: {  	(tag) =	ssettag $0x2  }
0xf3: {  	s0 =	rddreg [dreg:$0x0];
	s2 =	stileid.u32  }
0xf4: {  	s1 =	rddreg [dreg:$0x1];
	p0 =	sne.s32 s2, $0x0  }
0xf5: {  	s3 =	rddreg [dreg:$0x2];
	[bflag:$0x3] =	sbarrier.arrive $0xFFFF;
	s2 =	simm.s32 @!p0 $0x1C04  }
0xf6: {  	[timem:s3], [sflag:s2] =	dma.local @!p0 [hbm:s0], s1  }
0xf7: {  	s0 =	simm.s32 @!p0 $0x4  }
0xf8: {  	_ =	swait.ge @!p0 [sflag:s0], s1  }
0xf9: {  	s1 =	ssub.s32 @!p0 $0x0, s1;
	[sflag:s0] =	ssyncset.done @!p0 $0x0  }
0xfa: {  	[sflag:s0] =	ssyncadd.s32 @!p0 s1  }
0xfb: {  	[bflag:$0x3] =	sbarrier.arrive $0xFFFF  }
0xfc: {  	_ =	shalt  }

// kernel: kernel.5.cloned.1.call-start
scs
__scs_entry_jumppad:
0x0: {  	(pc) =	sbr.rel $0x88, $3  }
0x1: {  	(tag) =	ssettag $0x0;
	lr =	simm.s32 $0x1  }
0x2: {  	[smem:$0x3F96] =	sst lr;
	_ =	strace $0xD0000000  }
0x3: {  	_ = 	snop  }
0x4: {  	_ = 	snop  }
0x5: {  	_ = 	snop  }
0x6: {  	_ = 	snop  }
0x7: {  	_ = 	snop  }
__scs_overlays_trampoline_lowered:
0x8: {  	[smem:$0x3FA5] =	sst s0  }
0x9: {  	[smem:$0x3FA6] =	sst s1  }
0xa: {  	[smem:$0x3FA7] =	sst s2  }
0xb: {  	[smem:$0x3FA8] =	sst s3  }
0xc: {  	[smem:$0x3FA9] =	sst s4  }
0xd: {  	[smem:$0x3FAA] =	sst s5  }
0xe: {  	[smem:$0x3FAB] =	sst s6  }
0xf: {  	[smem:$0x3FAC] =	sst s7  }
0x10: {  	[smem:$0x3FAD] =	sst s8  }
0x11: {  	[smem:$0x3FAE] =	sst s9;
	s0 =	simm.s32 @!p0 $0x0  }
0x12: {  	s1 =	sld [smem:$0x3F94];
	s0 =	simm.s32 @p0 $0x1  }
0x13: {  	[smem:$0x3FAF] =	sst s0;
	s0 =	simm.s32 @!p1 $0x0  }
0x14: {  	s2 =	sld [smem:$0x3F93];
	s0 =	simm.s32 @p1 $0x1  }
0x15: {  	[smem:$0x3FB0] =	sst s0;
	s0 =	simm.s32 @!p2 $0x0  }
0x16: {  	s3 =	sld [smem:$0x3FDB];
	s0 =	simm.s32 @p2 $0x1  }
0x17: {  	s4 =	simm.s32 $0x1BF5;
	[smem:$0x3FB2] =	sst s0  }
0x18: {  	s0 =	sld [smem:$0x3F95];
	_ =	swait.ge [sflag:s4], $0x0  }
0x19: {  	s7 =	sld [smem:$0x3F96]  }
0x1a: {  	s8 =	sadd.s32 $0xFFFFE003, lr  }
0x1b: {  	s9 =	sadd.s32 $0xFFFFFEF7, lr;
	s5 =	simm.s32 $0xFFFFFFFF;
	p2 =	slt.u32 s8, $0xFFFFF086  }
0x1c: {  	p1 =	slt.u32 s9, $0xF7A;
	s5 =	simm.s32 @!p2 $0x0  }
0x1d: {  	s5 =	simm.s32 @p1 $0x1;
	p0 =	seq.s32 s7, s2  }
0x1e: {  	s7 =	smul.u32 @!p0 $0xF7A, s2;
	p2 =	seq.s32 @!p0 s5, $0x0  }
0x1f: {  	s9 =	smul.u32 $0xF7A, s1;
	s8 =	simm.s32 @!p0 $0x1BF5;
	p2 =	por !p2, p0  }
0x20: {  	[sflag:s8] =	ssyncset.s32 @!p0 $0xFFFFF086;
	s6 =	sadd.s32 @!p0 s3, s7;
	s7 =	simm.s32 @!p0 $0x108  }
0x21: {  	s3 =	sadd.s32 s3, s9;
	s6 =	sadd.s32 @!p0 $0x88, s6;
	s7 =	simm.s32 @p2 $0x1082  }
0x22: {  	[simem:s7], [sflag:s8] =	dma.local @!p0 [hbm:s6], $0xF7A  }
0x23: {  	s9 =	sor.u32 $0xD0000000, s2;
	s6 =	simm.s32 $0x108;
	_ =	swait.ge @!p0 [sflag:s8], $0x0  }
0x24: {  	s3 =	sadd.s32 $0x88, s3;
	s6 =	simm.s32 @!p1 $0x1082;
	[sflag:s4] =	ssyncset.s32 $0xFFFFF086  }
0x25: {  	[simem:s6], [sflag:s4] =	dma.local [hbm:s3], $0xF7A  }
0x26: {  	[smem:$0x3F96] =	sst s1;
	(tag) =	ssettag s2;
	_ =	strace s9  }
0x27: {  	s1 =	sld [smem:$0x3FA6]  }
0x28: {  	s2 =	sld [smem:$0x3FA7]  }
0x29: {  	s4 =	sld [smem:$0x3FA9]  }
0x2a: {  	p0 =	seq.s32 s5, $0x0;
	s5 =	sld [smem:$0x3FAA]  }
0x2b: {  	s6 =	sld [smem:$0x3FAB]  }
0x2c: {  	s7 =	sld [smem:$0x3FAC]  }
0x2d: {  	s3 =	simm.s32 $0x108;
	s8 =	sld [smem:$0x3FAD]  }
0x2e: {  	s3 =	simm.s32 @!p0 $0x1082;
	s9 =	sld [smem:$0x3FAE]  }
0x2f: {  	lr =	sadd.s32 s0, s3;
	s0 =	sld [smem:$0x3FA5]  }
0x30: {  	s3 =	sld [smem:$0x3FA8]  }
0x31: {  	[smem:$0x3FB1] =	sst s10  }
0x32: {  	s10 =	sld [smem:$0x3FAF];
	_ =	sdelay $0x3  }
0x33: {  	p0 =	seq.s32 s10, $0x1;
	s10 =	sld [smem:$0x3FB1];
	_ =	sdelay $0x3  }
0x34: {  	[smem:$0x3FB1] =	sst s10  }
0x35: {  	s10 =	sld [smem:$0x3FB0];
	_ =	sdelay $0x3  }
0x36: {  	p1 =	seq.s32 s10, $0x1;
	s10 =	sld [smem:$0x3FB1];
	_ =	sdelay $0x3  }
0x37: {  	[smem:$0x3FB1] =	sst s10  }
0x38: {  	s10 =	sld [smem:$0x3FB2]  }
0x39: {  	_ = 	snop;
	(pc) =	sbr.ind lr, $3  }
0x3a: {  	_ = 	snop  }
0x3b: {  	_ = 	snop  }
0x3c: {  	p2 =	seq.s32 s10, $0x1;
	s10 =	sld [smem:$0x3FB1]  }
0x3d: {  	_ =	shalt  }
0x3e: {  	_ =	shalt  }
0x3f: {  	_ =	shalt  }
0x40: {  	_ =	shalt  }
0x41: {  	_ =	shalt  }
0x42: {  	_ =	shalt  }
0x43: {  	_ =	shalt  }
0x44: {  	_ =	shalt  }
0x45: {  	_ =	shalt  }
0x46: {  	_ =	shalt  }
0x47: {  	_ =	shalt  }
0x48: {  	_ =	shalt  }
0x49: {  	_ =	shalt  }
0x4a: {  	_ =	shalt  }
0x4b: {  	_ =	shalt  }
0x4c: {  	_ =	shalt  }
0x4d: {  	_ =	shalt  }
0x4e: {  	_ =	shalt  }
0x4f: {  	_ =	shalt  }
0x50: {  	_ =	shalt  }
0x51: {  	_ =	shalt  }
0x52: {  	_ =	shalt  }
0x53: {  	_ =	shalt  }
0x54: {  	_ =	shalt  }
0x55: {  	_ =	shalt  }
0x56: {  	_ =	shalt  }
0x57: {  	_ =	shalt  }
0x58: {  	_ =	shalt  }
0x59: {  	_ =	shalt  }
0x5a: {  	_ =	shalt  }
0x5b: {  	_ =	shalt  }
0x5c: {  	_ =	shalt  }
0x5d: {  	_ =	shalt  }
0x5e: {  	_ =	shalt  }
0x5f: {  	_ =	shalt  }
0x60: {  	_ =	shalt  }
0x61: {  	_ =	shalt  }
0x62: {  	_ =	shalt  }
0x63: {  	_ =	shalt  }
0x64: {  	_ =	shalt  }
0x65: {  	_ =	shalt  }
0x66: {  	_ =	shalt  }
0x67: {  	_ =	shalt  }
0x68: {  	_ =	shalt  }
0x69: {  	_ =	shalt  }
0x6a: {  	_ =	shalt  }
0x6b: {  	_ =	shalt  }
0x6c: {  	_ =	shalt  }
0x6d: {  	_ =	shalt  }
0x6e: {  	_ =	shalt  }
0x6f: {  	_ =	shalt  }
0x70: {  	_ =	shalt  }
0x71: {  	_ =	shalt  }
0x72: {  	_ =	shalt  }
0x73: {  	_ =	shalt  }
0x74: {  	_ =	shalt  }
0x75: {  	_ =	shalt  }
0x76: {  	_ =	shalt  }
0x77: {  	_ =	shalt  }
0x78: {  	_ =	shalt  }
0x79: {  	_ =	shalt  }
0x7a: {  	_ =	shalt  }
0x7b: {  	_ =	shalt  }
0x7c: {  	_ =	shalt  }
0x7d: {  	_ =	shalt  }
0x7e: {  	_ =	shalt  }
0x7f: {  	_ =	shalt  }
0x80: {  	_ =	shalt  }
0x81: {  	_ =	shalt  }
0x82: {  	_ =	shalt  }
0x83: {  	_ =	shalt  }
0x84: {  	_ =	shalt  }
0x85: {  	_ =	shalt  }
0x86: {  	_ =	shalt  }
0x87: {  	_ =	shalt  }
.Lfunc_end0:
.L_simem_size_0:
called_computation.1_lowered:
.L_overlay_start_0:
0x88: {  	s2 =	sld [smem:$0x3FD9]  }
0x89: {  	s3 =	sld [smem:$0x3FFE];
	_ =	sdelay $0x1  }
0x8a: {  	s1 =	srdreg.scid  }
0x8b: {  	s0 =	sand.u32 $0x1, s1  }
0x8c: {  	s17 =	sshll.u32 s0, $0xA;
	s2 =	sadd.s32 s3, s2  }
0x8d: {  	s2 =	sadd.s32 s2, s17  }
0x8e: {  	[smem:$0x3FBD] =	sst s2  }
0x8f: {  	_ = 	snop  }
0x90: {  	s2 =	sld [smem:$0x3FD0];
	(tm) =	ssettm $0x1  }
0x91: {  	s18 =	sld [smem:$0x3FFB];
	_ =	sdelay $0x3  }
0x92: {  	_ =	strace s18  }
0x93: {  	s3 =	sld [smem:$0x3FFC];
	_ =	sdelay $0x3  }
0x94: {  	_ =	strace s3  }
0x95: {  	s3 =	sld [smem:$0x3FFD];
	_ =	sdelay $0x3  }
0x96: {  	_ =	strace s3  }
0x97: {  	_ =	strace $0x8FFFFFFF  }
0x98: {  	s19 =	sld [smem:$0x3FDB];
	_ =	sdelay $0x1  }
0x99: {  	s4 =	simm.s32 $_scs_section_size  }
0x9a: {  	s5 =	simm.s32 $_size__tile_overlayer_lowered;
	s6 =	simm.s32 $_tile_overlayer_lowered  }
0x9b: {  	s22 =	simm.s32 $0x1BFF;
	s21 =	sshll.u32 s6, $0x1;
	s3 =	sadd.s32 s4, s19  }
0x9c: {  	s7 =	simm.s32 $0x0;
	s20 =	sshll.u32 s5, $0x1;
	s5 =	sadd.s32 s21, s3  }
0x9d: {  	[timem:s7], [sflag:s22] =	dma.local [hbm:s5], s20  }
0x9e: {  	_ =	swait.ge [sflag:s22], s20  }
0x9f: {  	s4 =	ssub.s32 $0x0, s20;
	[sflag:s22] =	ssyncset.done $0x0  }
0xa0: {  	[sflag:s22] =	ssyncadd.s32 s4;
	_ =	sdelay $0x1  }
0xa1: {  	s23 =	simm.s32 $0x1B8B  }
0xa2: {  	_ =	swait.ge [sflag:s23], $0x1  }
0xa3: {  	[sflag:s23] =	ssyncset.done $0x0  }
0xa4: {  	s25 =	simm.s32 $0x1B8E;
	s24 =	sld [smem:$0x3FFE];
	[sflag:s23] =	ssyncadd.s32 $0xFFFFFFFF  }
0xa5: {  	s26 =	simm.s32 $execute0_lowered;
	[smem:$0x3FD2] =	sst s25  }
0xa6: {  	s5 =	sshll.u32 s26, $0x1;
	_ =	strace $0x80000046;
	[dreg:$0x1] =	wrdreg $0xFFFFFFFF  }
0xa7: {  	s28 =	simm.s32 $_size_execute0_lowered;
	s3 =	sadd.s32 s3, s5;
	[dreg:$0x0] =	wrdreg $0x0  }
0xa8: {  	s5 =	sshll.u32 s28, $0x1;
	[dreg:$0x2] =	wrdreg s3  }
0xa9: {  	[dreg:$0x3] =	wrdreg s5  }
0xaa: {  	[dreg:$0x4] =	wrdreg $0xC0  }
0xab: {  	_ =	task [dreg:s7], $0x5FFFF  }
0xac: {  	[dreg:$0x1] =	wrdreg $0xFFFFFFFF  }
0xad: {  	[dreg:$0x0] =	wrdreg $0x60  }
0xae: {  	[dreg:$0x2] =	wrdreg s24  }
0xaf: {  	[dreg:$0x3] =	wrdreg s2  }
0xb0: {  	[dreg:$0x4] =	wrdreg $0x9  }
0xb1: {  	_ =	task.clear_ibuf [dreg:s7], $0x5FFFF;
	_ =	strace $0x90000046  }
0xb2: {  	s29 =	simm.s32 $0x9;
	_ =	strace $0x80000048  }
0xb3: {  	_ =	swait.ge [sflag:s29], $0x1  }
0xb4: {  	[sflag:s29] =	ssyncadd.s32 $0xFFFFFFFF  }
0xb5: {  	_ =	strace $0x90000048  }
0xb6: {  	_ =	sfence  }
0xb7: {  	s30 =	sld [smem:$0x0];
	_ =	sdelay $0x2  }
0xb8: {  	s31 =	sshll.u32 s1, $0xD;
	s1 =	sshrl.u32 s1, $0x2  }
0xb9: {  	s3 =	sand.u32 $0x4000, s31;
	s1 =	sadd.s32 s1, s30  }
0xba: {  	s0 =	sor.u32 s3, s0;
	s1 =	sshll.u32 s1, $0x11  }
0xbb: {  	s0 =	sor.u32 s1, s0  }
0xbc: {  	s0 =	sadd.s32 $0x8F2B, s0  }
0xbd: {  	[sflag:s0] =	ssyncadd.remote.s32 $0x1  }
0xbe: {  	_ =	sfence.sel $0xFFFF  }
0xbf: {  	[dreg:$0x0] =	wrdreg $0xFFFFFFFF;
	(pc) =	sbr.abs _section_cstart, $3  }
0xc0: {  	[dreg:$0x1] =	wrdreg $0xFFFFFFFF  }
0xc1: {  	_ =	task.clear_ibuf [dreg:s7], $0x2FFFF;
	_ =	strace $0x9FFFFFFF  }
0xc2: {  	(tm) =	ssettm $0x7FFFFFFF  }
0xc3: {  	_ =	shalt  }
tec
execute0_lowered:
.L_overlay_start_1:
0x0: {  	(tag) =	ssettag $0x1  }
0x1: {  	s0 =	rddreg [dreg:$0x0]  }
0x2: {  	s2 =	rddreg [dreg:$0x1];
	s3 =	simm.s32 $0x0;
	s4 =	srdreg.scid  }
0x3: {  	s1 =	stileid.u32;
	s14 =	simm.s32 $0x5;
	s15 =	simm.s32 $0x80  }
0x4: {  	s16 =	simm.s32 $0x200;
	s17 =	simm.s32 $0x4200;
	s18 =	simm.s32 $0x100  }
0x5: {  	s19 =	simm.s32 $0x180;
	s20 =	simm.s32 $0x8200;
	s21 =	simm.s32 $0xC200  }
0x6: {  	s22 =	simm.s32 $0x1;
	s23 =	simm.s32 $0x2;
	s24 =	simm.s32 $0x3  }
0x7: {  	s25 =	simm.s32 $0x4;
	s26 =	simm.s32 $0x0;
	[smem:$0x7FF] =	sst s3  }
0x8: {  	s5 =	sand.u32 $0x1, s4;
	s29 =	sshll.u32 s1, $0x1;
	s4 =	sadd.s32 $0x34400, s0  }
0x9: {  	s6 =	sadd.s32 $0x5B600, s0;
	s7 =	sadd.s32 $0x3200, s0;
	s11 =	sor.u32 s5, s29  }
0xa: {  	s8 =	sadd.s32 $0x82800, s0;
	s9 =	ssub.s32 $0x2, s5;
	s5 =	smul.u32 $0x2800, s11  }
0xb: {  	_ =	strace $0x80000047;
	s10 =	sshrl.u32 s9, $0x1;
	s11 =	smul.u32 $0x140000, s11  }
0xc: {  	s30 =	ssub.s32 s9, s10;
	s31 =	sshrl.u32 s5, $0x3;
	s12 =	sor.u32 $0x100, s5  }
0xd: {  	s13 =	smax.u32 s30, $0x1;
	s9 =	sadd.s32 s2, s31;
	s10 =	sadd.s32 s7, s31  }
.LBB2_1:
0xe: {  	[tilespmem:s3], [sflag:$0x5] =	stream.linear.gather [hbm4b:s9+s3], $0x80, $0x38;
	[tilespmem:$0x10200] =	vst v63  }
0xf: {  	_ =	swait.ge [sflag:s14], $0x80  }
0x10: {  	[sflag:s14] =	ssyncset.done $0x0  }
0x11: {  	[sflag:s14] =	ssyncadd.s32 $0xFFFFFF80  }
0x12: {  	[tilespmem:s15], [sflag:$0x5] =	stream.linear.gather [hbm4b:s10+s3], $0x80, $0x38;
	[tilespmem:$0x10200] =	vst v63  }
0x13: {  	_ =	swait.ge [sflag:s14], $0x80  }
0x14: {  	[sflag:s14] =	ssyncset.done $0x0  }
0x15: {  	[sflag:s14] =	ssyncadd.s32 $0xFFFFFF80  }
0x16: {  	[tilespmem:s16], [sflag:$0x1] =	stream.indirect.gather [hbm4b:s4+s15], $0x80, s3, s15, $0xb8;
	[tilespmem:$0x10200] =	vst v63  }
0x17: {  	s28 =	simm.s32 $0x0  }
0x18: {  	[tilespmem:s17], [sflag:$0x2] =	stream.indirect.gather [hbm4b:s6+s15], $0x80, s15, s15, $0xb8;
	[tilespmem:$0x10200] =	vst v63  }
.LBB2_2:
0x19: {  	s30 =	sshll.u32 s28, $0x8  }
0x1a: {  	s0 =	sadd.s32 s30, s5  }
0x1b: {  	s29 =	sadd.s32 $0x80, s0  }
0x1c: {  	s0 =	sshrl.u32 s29, $0x3  }
0x1d: {  	s1 =	simm.s32 $0x0;
	s31 =	sadd.s32 s2, s0  }
0x1e: {  	[tilespmem:s18], [sflag:$0x5] =	stream.linear.gather [hbm4b:s31+s1], $0x80, $0x38;
	[tilespmem:$0x10200] =	vst v63  }
0x1f: {  	_ =	swait.ge [sflag:s14], $0x80  }
0x20: {  	[sflag:s14] =	ssyncset.done $0x0  }
0x21: {  	s0 =	sadd.s32 s7, s0;
	[sflag:s14] =	ssyncadd.s32 $0xFFFFFF80  }
0x22: {  	[tilespmem:s19], [sflag:$0x5] =	stream.linear.gather [hbm4b:s0+s1], $0x80, $0x38;
	[tilespmem:$0x10200] =	vst v63  }
0x23: {  	_ =	swait.ge [sflag:s14], $0x80  }
0x24: {  	[sflag:s14] =	ssyncset.done $0x0  }
0x25: {  	[sflag:s14] =	ssyncadd.s32 $0xFFFFFF80  }
0x26: {  	[tilespmem:s20], [sflag:$0x3] =	stream.indirect.gather [hbm4b:s4+s15], $0x80, s18, s15, $0xb8;
	[tilespmem:$0x10200] =	vst v63  }
0x27: {  	_ = 	snop  }
0x28: {  	[tilespmem:s21], [sflag:$0x4] =	stream.indirect.gather [hbm4b:s6+s15], $0x80, s19, s15, $0xb8;
	[tilespmem:$0x10200] =	vst v63  }
0x29: {  	_ =	swait.ge [sflag:s22], $0x4000  }
0x2a: {  	[sflag:s22] =	ssyncset.done $0x0  }
0x2b: {  	[sflag:s22] =	ssyncadd.s32 $0xFFFFC000  }
0x2c: {  	_ =	swait.ge [sflag:s23], $0x4000  }
0x2d: {  	[sflag:s23] =	ssyncset.done $0x0  }
0x2e: {  	s31 =	simm.s32 $0x0;
	[sflag:s23] =	ssyncadd.s32 $0xFFFFC000  }
0x2f: {  	v7 =	vld [tilespmem:s31+$0x4200]  }
0x30: {  	v11 =	vld [tilespmem:s31+$0x4210]  }
0x31: {  	v5 =	vld [tilespmem:s31+$0x4220]  }
0x32: {  	v4 =	vld [tilespmem:s31+$0x4230]  }
0x33: {  	v3 =	vld [tilespmem:s31+$0x4240]  }
0x34: {  	v2 =	vld [tilespmem:s31+$0x4250]  }
0x35: {  	v1 =	vld [tilespmem:s31+$0x4260]  }
0x36: {  	v0 =	vld [tilespmem:s31+$0x4270]  }
0x37: {  	v12 =	vld [tilespmem:s31+$0x200]  }
0x38: {  	v13 =	vld [tilespmem:s31+$0x210]  }
0x39: {  	v10 =	vld [tilespmem:s31+$0x220]  }
0x3a: {  	v9 =	vld [tilespmem:s31+$0x230]  }
0x3b: {  	v8 =	vld [tilespmem:s31+$0x240]  }
0x3c: {  	v6 =	vld [tilespmem:s31+$0x250];
	v12 =	vadd.f32 v7, v12  }
0x3d: {  	s0 =	simm.s32 $0x200;
	v11 =	vadd.f32 v11, v13;
	v7 =	vld [tilespmem:s31+$0x260]  }
.LBB2_3:
0x3e: {  	s1 =	sshra.s32 s0, $0x2;
	p0 =	sne.s32 s0, $0xFE00;
	[tilespmem:s31+$0x200] =	vst v12;
	v5 =	vadd.f32 v5, v10;
	v10 =	vld [tilespmem:s31+$0x270]  }
0x3f: {  	v12 =	vld [tilespmem:s1+$0x4200];
	[tilespmem:s31+$0x210] =	vst v11;
	v4 =	vadd.f32 v4, v9  }
0x40: {  	v11 =	vld [tilespmem:s1+$0x4210];
	[tilespmem:s31+$0x220] =	vst v5;
	v3 =	vadd.f32 v3, v8  }
0x41: {  	v5 =	vld [tilespmem:s1+$0x4220];
	[tilespmem:s31+$0x230] =	vst v4;
	v2 =	vadd.f32 v2, v6  }
0x42: {  	v4 =	vld [tilespmem:s1+$0x4230];
	[tilespmem:s31+$0x240] =	vst v3;
	v1 =	vadd.f32 v1, v7  }
0x43: {  	v3 =	vld [tilespmem:s1+$0x4240];
	[tilespmem:s31+$0x250] =	vst v2;
	v0 =	vadd.f32 v0, v10  }
0x44: {  	v2 =	vld [tilespmem:s1+$0x4250];
	[tilespmem:s31+$0x260] =	vst v1  }
0x45: {  	v1 =	vld [tilespmem:s1+$0x4260];
	[tilespmem:s31+$0x270] =	vst v0;
	s31 =	smov.u32 s1  }
0x46: {  	v0 =	vld [tilespmem:s31+$0x4270]  }
0x47: {  	v6 =	vld [tilespmem:s31+$0x200]  }
0x48: {  	v7 =	vld [tilespmem:s31+$0x210]  }
.Ltmp0:
0x49: {  	v10 =	vld [tilespmem:s31+$0x220];
	(pc) =	sbr.rel @p0 .LBB2_3-.Ltmp0, $4  }
0x4a: {  	v9 =	vld [tilespmem:s31+$0x230]  }
0x4b: {  	v8 =	vld [tilespmem:s31+$0x240]  }
0x4c: {  	v12 =	vadd.f32 v12, v6;
	v6 =	vld [tilespmem:s31+$0x250]  }
0x4d: {  	s0 =	sadd.s32 $0x200, s0;
	v11 =	vadd.f32 v11, v7;
	v7 =	vld [tilespmem:s31+$0x260]  }
0x4e: {  	[tilespmem:s31+$0x200] =	vst v12;
	v5 =	vadd.f32 v5, v10;
	v10 =	vld [tilespmem:s31+$0x270]  }
0x4f: {  	[tilespmem:s31+$0x210] =	vst v11;
	v4 =	vadd.f32 v4, v9  }
0x50: {  	[tilespmem:s31+$0x220] =	vst v5;
	v3 =	vadd.f32 v3, v8  }
0x51: {  	[tilespmem:s31+$0x230] =	vst v4;
	v2 =	vadd.f32 v2, v6  }
0x52: {  	s0 =	sshll.u32 s28, $0xF;
	[tilespmem:s31+$0x240] =	vst v3;
	v1 =	vadd.f32 v1, v7  }
0x53: {  	s0 =	sadd.s32 s11, s0;
	[tilespmem:s31+$0x250] =	vst v2;
	v0 =	vadd.f32 v0, v10  }
0x54: {  	s0 =	sshrl.u32 s0, $0x3;
	[tilespmem:s31+$0x260] =	vst v1  }
0x55: {  	p0 =	seq.s32 s28, $0x27;
	s0 =	sadd.s32 s8, s0;
	[tilespmem:s31+$0x270] =	vst v0  }
0x56: {  	[hbm4b:s0+s3] =	stream.linear.scatter [tilespmem:s16], [sflag:$0x5], $0x4000, $0x38;
	[tilespmem:$0x10200] =	vst v63  }
0x57: {  	s0 =	sadd.s32 @!p0 s30, s12;
	_ =	swait.ge [sflag:s14], $0x4000  }
0x58: {  	s0 =	sshrl.u32 @!p0 s0, $0x3;
	[sflag:s14] =	ssyncset.done $0x0  }
0x59: {  	s30 =	simm.s32 @!p0 $0x0;
	s1 =	sadd.s32 @!p0 s2, s0;
	[sflag:s14] =	ssyncadd.s32 $0xFFFFC000  }
0x5a: {  	[tilespmem:s30], [sflag:$0x5] =	stream.linear.gather @!p0 [hbm4b:s1+s30], $0x80, $0x38;
	[tilespmem:$0x10200] =	vst v63  }
0x5b: {  	s1 =	simm.s32 @!p0 $0x5  }
0x5c: {  	_ =	swait.ge @!p0 [sflag:s1], $0x80  }
0x5d: {  	[sflag:s1] =	ssyncset.done @!p0 $0x0  }
0x5e: {  	s31 =	simm.s32 @!p0 $0x80;
	s0 =	sadd.s32 @!p0 s7, s0;
	[sflag:s1] =	ssyncadd.s32 @!p0 $0xFFFFFF80  }
0x5f: {  	[tilespmem:s31], [sflag:$0x5] =	stream.linear.gather @!p0 [hbm4b:s0+s30], $0x80, $0x38;
	[tilespmem:$0x10200] =	vst v63  }
0x60: {  	_ =	swait.ge @!p0 [sflag:s1], $0x80  }
0x61: {  	[sflag:s1] =	ssyncset.done @!p0 $0x0  }
0x62: {  	s0 =	simm.s32 @!p0 $0x200;
	[sflag:s1] =	ssyncadd.s32 @!p0 $0xFFFFFF80  }
0x63: {  	[tilespmem:s0], [sflag:$0x1] =	stream.indirect.gather @!p0 [hbm4b:s4+s31], $0x80, s30, s31, $0xb8;
	[tilespmem:$0x10200] =	vst v63  }
0x64: {  	s0 =	simm.s32 @!p0 $0x4200  }
0x65: {  	[tilespmem:s0], [sflag:$0x2] =	stream.indirect.gather @!p0 [hbm4b:s6+s31], $0x80, s31, s31, $0xb8;
	[tilespmem:$0x10200] =	vst v63  }
0x66: {  	_ =	swait.ge [sflag:s24], $0x4000  }
0x67: {  	[sflag:s24] =	ssyncset.done $0x0  }
0x68: {  	[sflag:s24] =	ssyncadd.s32 $0xFFFFC000  }
0x69: {  	_ =	swait.ge [sflag:s25], $0x4000  }
0x6a: {  	[sflag:s25] =	ssyncset.done $0x0  }
0x6b: {  	s30 =	simm.s32 $0x0;
	[sflag:s25] =	ssyncadd.s32 $0xFFFFC000  }
0x6c: {  	v7 =	vld [tilespmem:s30+$0xC200]  }
0x6d: {  	v11 =	vld [tilespmem:s30+$0xC210]  }
0x6e: {  	v5 =	vld [tilespmem:s30+$0xC220]  }
0x6f: {  	v4 =	vld [tilespmem:s30+$0xC230]  }
0x70: {  	v3 =	vld [tilespmem:s30+$0xC240]  }
0x71: {  	v2 =	vld [tilespmem:s30+$0xC250]  }
0x72: {  	v1 =	vld [tilespmem:s30+$0xC260]  }
0x73: {  	v0 =	vld [tilespmem:s30+$0xC270]  }
0x74: {  	v12 =	vld [tilespmem:s30+$0x8200]  }
0x75: {  	v13 =	vld [tilespmem:s30+$0x8210]  }
0x76: {  	v10 =	vld [tilespmem:s30+$0x8220]  }
0x77: {  	v9 =	vld [tilespmem:s30+$0x8230]  }
0x78: {  	v8 =	vld [tilespmem:s30+$0x8240]  }
0x79: {  	v6 =	vld [tilespmem:s30+$0x8250];
	v12 =	vadd.f32 v7, v12  }
0x7a: {  	s0 =	simm.s32 $0x200;
	v11 =	vadd.f32 v11, v13;
	v7 =	vld [tilespmem:s30+$0x8260]  }
.LBB2_5:
0x7b: {  	s1 =	sshra.s32 s0, $0x2;
	p0 =	sne.s32 s0, $0xFE00;
	[tilespmem:s30+$0x8200] =	vst v12;
	v5 =	vadd.f32 v5, v10;
	v10 =	vld [tilespmem:s30+$0x8270]  }
0x7c: {  	v12 =	vld [tilespmem:s1+$0xC200];
	[tilespmem:s30+$0x8210] =	vst v11;
	v4 =	vadd.f32 v4, v9  }
0x7d: {  	v11 =	vld [tilespmem:s1+$0xC210];
	[tilespmem:s30+$0x8220] =	vst v5;
	v3 =	vadd.f32 v3, v8  }
0x7e: {  	v5 =	vld [tilespmem:s1+$0xC220];
	[tilespmem:s30+$0x8230] =	vst v4;
	v2 =	vadd.f32 v2, v6  }
0x7f: {  	v4 =	vld [tilespmem:s1+$0xC230];
	[tilespmem:s30+$0x8240] =	vst v3;
	v1 =	vadd.f32 v1, v7  }
0x80: {  	v3 =	vld [tilespmem:s1+$0xC240];
	[tilespmem:s30+$0x8250] =	vst v2;
	v0 =	vadd.f32 v0, v10  }
0x81: {  	v2 =	vld [tilespmem:s1+$0xC250];
	[tilespmem:s30+$0x8260] =	vst v1  }
0x82: {  	v1 =	vld [tilespmem:s1+$0xC260];
	[tilespmem:s30+$0x8270] =	vst v0;
	s30 =	smov.u32 s1  }
0x83: {  	v0 =	vld [tilespmem:s30+$0xC270]  }
0x84: {  	v6 =	vld [tilespmem:s30+$0x8200]  }
0x85: {  	v7 =	vld [tilespmem:s30+$0x8210]  }
.Ltmp1:
0x86: {  	v10 =	vld [tilespmem:s30+$0x8220];
	(pc) =	sbr.rel @p0 .LBB2_5-.Ltmp1, $4  }
0x87: {  	v9 =	vld [tilespmem:s30+$0x8230]  }
0x88: {  	v8 =	vld [tilespmem:s30+$0x8240]  }
0x89: {  	v12 =	vadd.f32 v12, v6;
	v6 =	vld [tilespmem:s30+$0x8250]  }
0x8a: {  	s0 =	sadd.s32 $0x200, s0;
	v11 =	vadd.f32 v11, v7;
	v7 =	vld [tilespmem:s30+$0x8260]  }
0x8b: {  	[tilespmem:s30+$0x8200] =	vst v12;
	v5 =	vadd.f32 v5, v10;
	v63 =	vld [tilespmem:s30+$0x8270]  }
0x8c: {  	[tilespmem:s30+$0x8210] =	vst v11;
	v4 =	vadd.f32 v4, v9  }
0x8d: {  	[tilespmem:s30+$0x8220] =	vst v5;
	v3 =	vadd.f32 v3, v8  }
0x8e: {  	[tilespmem:s30+$0x8230] =	vst v4;
	v2 =	vadd.f32 v2, v6  }
0x8f: {  	[tilespmem:s30+$0x8240] =	vst v3;
	v1 =	vadd.f32 v1, v7  }
0x90: {  	s28 =	sadd.s32 $0x1, s28;
	[tilespmem:s30+$0x8250] =	vst v2;
	v0 =	vadd.f32 v0, v63  }
0x91: {  	s0 =	sshll.u32 s29, $0x4;
	p0 =	sne.s32 s28, $0x28;
	[tilespmem:s30+$0x8260] =	vst v1  }
.Ltmp2:
0x92: {  	s0 =	sadd.s32 s8, s0;
	[tilespmem:s30+$0x8270] =	vst v0;
	(pc) =	sbr.rel @p0 .LBB2_2-.Ltmp2, $4  }
0x93: {  	[hbm4b:s0+s3] =	stream.linear.scatter [tilespmem:s20], [sflag:$0x5], $0x4000, $0x38;
	[tilespmem:$0x10200] =	vst v63  }
0x94: {  	_ =	swait.ge [sflag:s14], $0x4000  }
0x95: {  	[sflag:s14] =	ssyncset.done $0x0  }
0x96: {  	[sflag:s14] =	ssyncadd.s32 $0xFFFFC000  }
0x97: {  	s26 =	sadd.s32 $0x1, s26  }
0x98: {  	p0 =	sne.s32 s26, s13  }
.Ltmp3:
0x99: {  	_ = 	snop;
	(pc) =	sbr.rel @p0 .LBB2_1-.Ltmp3, $1  }
0x9a: {  	_ =	sdelay $0x3  }
0x9b: {  	_ =	sfence.sel $0x180000  }
0x9c: {  	[bflag:$0x0] =	sbarrier.arrive $0xFFFF  }
0x9d: {  	_ =	strace $0x90000047  }
0x9e: {  	s0 =	stileid.u32;
	[bflag:$0x2] =	sbarrier.arrive $0xFFFF  }
0x9f: {  	p0 =	sne.s32 s0, $0x0;
	s0 =	rddreg [dreg:$0x2]  }
0xa0: {  	s0 =	sadd.s32 @!p0 $0x100000, s0  }
0xa1: {  	[sflag:s0] =	ssyncadd.tile.s32 @!p0 $0x1;
	_ =	shalt  }
.Lfunc_end2:
_tile_overlayer_lowered:
.L_overlay_start_2:
0xa2: {  	(tag) =	ssettag $0x2  }
0xa3: {  	s0 =	rddreg [dreg:$0x0];
	s2 =	stileid.u32  }
0xa4: {  	s1 =	rddreg [dreg:$0x1];
	p0 =	sne.s32 s2, $0x0  }
0xa5: {  	s3 =	rddreg [dreg:$0x2];
	[bflag:$0x3] =	sbarrier.arrive $0xFFFF;
	s2 =	simm.s32 @!p0 $0x1C05  }
0xa6: {  	[timem:s3], [sflag:s2] =	dma.local @!p0 [hbm:s0], s1  }
0xa7: {  	s0 =	simm.s32 @!p0 $0x5  }
0xa8: {  	_ =	swait.ge @!p0 [sflag:s0], s1  }
0xa9: {  	s1 =	ssub.s32 @!p0 $0x0, s1;
	[sflag:s0] =	ssyncset.done @!p0 $0x0  }
0xaa: {  	[sflag:s0] =	ssyncadd.s32 @!p0 s1  }
0xab: {  	[bflag:$0x3] =	sbarrier.arrive $0xFFFF  }
0xac: {  	_ =	shalt  }

</sc_bundles>
